<compile_context>
chip_gen: v7x
topology: tpu7x:2x2x1
jax: 0.10.2.dev20260603
libtpu: 0.0.44.dev20260713+nightly
codegen_flags: <defaults>
</compile_context>

<pallas_src>
import jax
import jax.numpy as jnp
from jax import lax
from jax.experimental import pallas as pl
from jax.experimental.pallas import tpu as pltpu
from jax.experimental.pallas import tpu_sc as plsc

_B = 32
_K = 500
_KPAD = 512
_NCH = 4
_CHUNK = 128
_NC = 2
_NS = 16
_LANES = 16


def _tec_body(flat_hbm, ind_hbm, msk_hbm, tgt_hbm, out_hbm,
              idx_v, val_v, msk_v, tgt_v, acc_v, tot_v,
              sem_i, sem_mt, sem_g):
    cid = lax.axis_index("c")
    sid = lax.axis_index("s")
    b = cid * _NS + sid

    cp_i = pltpu.async_copy(ind_hbm.at[b], idx_v, sem_i)
    cp_m = pltpu.async_copy(msk_hbm.at[b], msk_v, sem_mt)
    cp_t = pltpu.async_copy(tgt_hbm.at[b], tgt_v, sem_mt)
    cp_i.wait()

    hw = flat_hbm.shape[0] // _B
    off = b * hw
    for j in range(_NCH):
        for i in range(_CHUNK // _LANES):
            sl = pl.ds(i * _LANES, _LANES)
            idx_v[j, sl] = idx_v[j, sl] + off

    copies = [
        pltpu.async_copy(flat_hbm.at[idx_v.at[j]], val_v.at[j], sem_g)
        for j in range(_NCH)
    ]
    cp_m.wait()
    cp_t.wait()
    for cp in copies:
        cp.wait()

    acc = jnp.zeros((_LANES,), jnp.float32)
    for j in range(_NCH):
        for i in range(_CHUNK // _LANES):
            sl = pl.ds(i * _LANES, _LANES)
            x = val_v[j, sl]
            m = msk_v[j, sl].astype(jnp.float32)
            sig = 1.0 / (1.0 + jnp.exp(-x))
            sig = jnp.minimum(jnp.maximum(sig, 0.0001), 1.0 - 0.0001)
            d = (sig - tgt_v[j, sl]) * m
            acc = acc + d * d
    acc_v[...] = acc

    pltpu.sync_copy(acc_v, out_hbm.at[b])
    plsc.subcore_barrier()

    @pl.when(sid == 0)
    def _():
        pltpu.sync_copy(out_hbm.at[pl.ds(cid * _NS, _NS)], tot_v)
        tot = jnp.zeros((_LANES,), jnp.float32)
        for r in range(_NS):
            tot = tot + tot_v[r, pl.ds(0, _LANES)]
        dnums = lax.GatherDimensionNumbers(
            offset_dims=(), collapsed_slice_dims=(0,), start_index_map=(0,))
        for k in (8, 4, 2, 1):
            perm = lax.iota(jnp.int32, _LANES) ^ k
            shuf = lax.gather(tot, perm[:, None], dnums, slice_sizes=(1,),
                              mode=lax.GatherScatterMode.PROMISE_IN_BOUNDS)
            tot = tot + shuf
        acc_v[...] = tot * (1.0 / float(_B * _K))
        pltpu.sync_copy(acc_v, out_hbm.at[_B + cid])


@jax.jit
def _run(flat, ind3, msk3, tgt3):
    mesh = plsc.VectorSubcoreMesh(core_axis_name="c", subcore_axis_name="s",
                                  num_cores=_NC, num_subcores=_NS)
    return pl.kernel(
        _tec_body,
        out_type=jax.ShapeDtypeStruct((_B + _NC, _LANES), jnp.float32),
        mesh=mesh,
        scratch_types=[
            pltpu.VMEM((_NCH, _CHUNK), jnp.int32),
            pltpu.VMEM((_NCH, _CHUNK), jnp.float32),
            pltpu.VMEM((_NCH, _CHUNK), jnp.int32),
            pltpu.VMEM((_NCH, _CHUNK), jnp.float32),
            pltpu.VMEM((_LANES,), jnp.float32),
            pltpu.VMEM((_NS, _LANES), jnp.float32),
            pltpu.SemaphoreType.DMA,
            pltpu.SemaphoreType.DMA,
            pltpu.SemaphoreType.DMA,
        ],
    )(flat, ind3, msk3, tgt3)


def kernel(output, mask, ind, target):
    B, C, H, W = output.shape
    flat = output.reshape(B * H * W * C)
    pad = ((0, 0), (0, _KPAD - _K))
    ind3 = jnp.pad(ind, pad).reshape(_B, _NCH, _CHUNK)
    msk3 = jnp.pad(mask, pad).reshape(_B, _NCH, _CHUNK)
    tgt3 = jnp.pad(target, pad).reshape(_B, _NCH, _CHUNK)
    out = _run(flat, ind3, msk3, tgt3)
    return out[_B, 0] + out[_B + 1, 0]

# --- scband reference (transcript-rebuilt; emitter-appended) ---
"""Pipeline reference for scband-mseind-loss-54391465836723 (READ-ONLY COPY).

The authoritative reference and input builder live on the scoring server;
editing this copy changes nothing except your own understanding.
"""

import jax, jax.numpy as jnp
import numpy as np


def setup_inputs(seed: int = 0) -> dict:
    key = jax.random.key(seed)
    k1, k2, k3, k4 = jax.random.split(key, 4)
    output = jax.random.normal(k1, (32, 1, 256, 256), dtype=jnp.float32)
    mask = jax.random.randint(k2, (32, 500), 0, 2, dtype=jnp.int32)
    ind = jax.random.randint(k3, (32, 500), 0, 65536, dtype=jnp.int32)
    target = jax.random.uniform(k4, (32, 500), dtype=jnp.float32)
    return {"output": output, "mask": mask, "ind": ind, "target": target}


def reference(output, mask, ind, target):
    # _tranpose_and_gather_feat: permute(0,2,3,1) -> view(B, H*W, C) -> gather along dim 1
    B, C, H, W = output.shape
    feat = jnp.transpose(output, (0, 2, 3, 1)).reshape(B, H * W, C)
    K = ind.shape[1]
    idx = jnp.broadcast_to(ind[:, :, None], (B, K, C))
    pred = jnp.take_along_axis(feat, idx, axis=1)  # [B, K, C]
    # _sigmoid with clamp
    sig = jnp.clip(jax.nn.sigmoid(pred), 0.0001, 1.0 - 0.0001)
    # mask.unsqueeze(2).expand_as(pred).float()
    m = jnp.broadcast_to(mask[:, :, None].astype(jnp.float32), pred.shape)
    # MSELoss(reduction='mean') between sig*m and target.unsqueeze(2)*m
    tgt = target[:, :, None] * m
    diff = sig * m - tgt
    loss = jnp.mean(diff * diff)
    return loss

if __name__ == "__main__":
    import jax
    _d = setup_inputs()
    print(jax.jit(kernel)(*tuple(_d.values())))

</pallas_src>

<mosaic_0001>
#map = affine_map<(d0, d1) -> (0)>
#map1 = affine_map<(d0, d1) -> (0, 0, 0)>
#map2 = affine_map<(d0, d1) -> (0, 0)>
module attributes {stable_mosaic.version = 14 : i64} {
  func.func @_tec_body(%arg0: i32, %arg1: i32, %arg2: memref<2097152xf32, #tpu.memory_space<hbm>>, %arg3: memref<32x4x128xi32, #tpu.memory_space<hbm>>, %arg4: memref<32x4x128xi32, #tpu.memory_space<hbm>>, %arg5: memref<32x4x128xf32, #tpu.memory_space<hbm>>, %arg6: memref<34x16xf32, #tpu.memory_space<hbm>>, %arg7: memref<4x128xi32, #tpu.memory_space<vmem>>, %arg8: memref<4x128xf32, #tpu.memory_space<vmem>>, %arg9: memref<4x128xi32, #tpu.memory_space<vmem>>, %arg10: memref<4x128xf32, #tpu.memory_space<vmem>>, %arg11: memref<16xf32, #tpu.memory_space<vmem>>, %arg12: memref<16x16xf32, #tpu.memory_space<vmem>>, %arg13: memref<!tpu.dma_semaphore, #tpu.memory_space<semaphore_mem>>, %arg14: memref<!tpu.dma_semaphore, #tpu.memory_space<semaphore_mem>>, %arg15: memref<!tpu.dma_semaphore, #tpu.memory_space<semaphore_mem>>) attributes {dimension_semantics = [#tpu.dimension_semantics<core_parallel>, #tpu.dimension_semantics<subcore_parallel>], iteration_bounds = array<i64: 2, 16>, scalar_prefetch = 0 : i64, scratch_operands = 9 : i64, tpu.core_type = #tpu.core_type<sc_vector_subcore>, window_params = [{transform_indices = #map}, {transform_indices = #map1}, {transform_indices = #map1}, {transform_indices = #map1}, {transform_indices = #map2}]} {
    %mul3A = arith.constant 16 : i32
    %mul3A_0 = arith.muli %arg0, %mul3A : i32
    %add3A = arith.addi %mul3A_0, %arg1 : i32
    %dma_start3A = arith.constant 0 : i32
    %dma_start3A_1 = arith.constant 0 : i32
    %dma_start3A_2 = tpu.memref_slice %arg3[%add3A, %dma_start3A, %dma_start3A_1] : memref<32x4x128xi32, #tpu.memory_space<hbm>> -> memref<1x4x128xi32, #tpu.memory_space<hbm>>
    %dma_start3A_3 = tpu.memref_squeeze %dma_start3A_2 : memref<1x4x128xi32, #tpu.memory_space<hbm>> -> memref<4x128xi32, #tpu.memory_space<hbm>>
    %dma_start3A_4 = arith.constant 0 : i32
    %dma_start3A_5 = arith.constant 0 : i32
    %dma_start3A_6 = tpu.memref_slice %arg3[%add3A, %dma_start3A_4, %dma_start3A_5] : memref<32x4x128xi32, #tpu.memory_space<hbm>> -> memref<1x4x128xi32, #tpu.memory_space<hbm>>
    %dma_start3A_7 = tpu.memref_squeeze %dma_start3A_6 : memref<1x4x128xi32, #tpu.memory_space<hbm>> -> memref<4x128xi32, #tpu.memory_space<hbm>>
    tpu.enqueue_dma source(%dma_start3A_7 : memref<4x128xi32, #tpu.memory_space<hbm>>) target(%arg7 : memref<4x128xi32, #tpu.memory_space<vmem>>) target_semaphore(%arg13 : memref<!tpu.dma_semaphore, #tpu.memory_space<semaphore_mem>>)
    %dma_start3A_8 = arith.constant 0 : i32
    %dma_start3A_9 = arith.constant 0 : i32
    %dma_start3A_10 = tpu.memref_slice %arg4[%add3A, %dma_start3A_8, %dma_start3A_9] : memref<32x4x128xi32, #tpu.memory_space<hbm>> -> memref<1x4x128xi32, #tpu.memory_space<hbm>>
    %dma_start3A_11 = tpu.memref_squeeze %dma_start3A_10 : memref<1x4x128xi32, #tpu.memory_space<hbm>> -> memref<4x128xi32, #tpu.memory_space<hbm>>
    %dma_start3A_12 = arith.constant 0 : i32
    %dma_start3A_13 = arith.constant 0 : i32
    %dma_start3A_14 = tpu.memref_slice %arg4[%add3A, %dma_start3A_12, %dma_start3A_13] : memref<32x4x128xi32, #tpu.memory_space<hbm>> -> memref<1x4x128xi32, #tpu.memory_space<hbm>>
    %dma_start3A_15 = tpu.memref_squeeze %dma_start3A_14 : memref<1x4x128xi32, #tpu.memory_space<hbm>> -> memref<4x128xi32, #tpu.memory_space<hbm>>
    tpu.enqueue_dma source(%dma_start3A_15 : memref<4x128xi32, #tpu.memory_space<hbm>>) target(%arg9 : memref<4x128xi32, #tpu.memory_space<vmem>>) target_semaphore(%arg14 : memref<!tpu.dma_semaphore, #tpu.memory_space<semaphore_mem>>)
    %dma_start3A_16 = arith.constant 0 : i32
    %dma_start3A_17 = arith.constant 0 : i32
    %dma_start3A_18 = tpu.memref_slice %arg5[%add3A, %dma_start3A_16, %dma_start3A_17] : memref<32x4x128xf32, #tpu.memory_space<hbm>> -> memref<1x4x128xf32, #tpu.memory_space<hbm>>
    %dma_start3A_19 = tpu.memref_squeeze %dma_start3A_18 : memref<1x4x128xf32, #tpu.memory_space<hbm>> -> memref<4x128xf32, #tpu.memory_space<hbm>>
    %dma_start3A_20 = arith.constant 0 : i32
    %dma_start3A_21 = arith.constant 0 : i32
    %dma_start3A_22 = tpu.memref_slice %arg5[%add3A, %dma_start3A_20, %dma_start3A_21] : memref<32x4x128xf32, #tpu.memory_space<hbm>> -> memref<1x4x128xf32, #tpu.memory_space<hbm>>
    %dma_start3A_23 = tpu.memref_squeeze %dma_start3A_22 : memref<1x4x128xf32, #tpu.memory_space<hbm>> -> memref<4x128xf32, #tpu.memory_space<hbm>>
    tpu.enqueue_dma source(%dma_start3A_23 : memref<4x128xf32, #tpu.memory_space<hbm>>) target(%arg10 : memref<4x128xf32, #tpu.memory_space<vmem>>) target_semaphore(%arg14 : memref<!tpu.dma_semaphore, #tpu.memory_space<semaphore_mem>>)
    %dma_wait3A = arith.constant 0 : i32
    %dma_wait3A_24 = arith.constant 0 : i32
    %dma_wait3A_25 = tpu.memref_slice %arg3[%add3A, %dma_wait3A, %dma_wait3A_24] : memref<32x4x128xi32, #tpu.memory_space<hbm>> -> memref<1x4x128xi32, #tpu.memory_space<hbm>>
    %dma_wait3A_26 = tpu.memref_squeeze %dma_wait3A_25 : memref<1x4x128xi32, #tpu.memory_space<hbm>> -> memref<4x128xi32, #tpu.memory_space<hbm>>
    %dma_wait3A_27 = arith.constant 0 : i32
    %dma_wait3A_28 = arith.constant 0 : i32
    %dma_wait3A_29 = tpu.memref_slice %arg3[%add3A, %dma_wait3A_27, %dma_wait3A_28] : memref<32x4x128xi32, #tpu.memory_space<hbm>> -> memref<1x4x128xi32, #tpu.memory_space<hbm>>
    %dma_wait3A_30 = tpu.memref_squeeze %dma_wait3A_29 : memref<1x4x128xi32, #tpu.memory_space<hbm>> -> memref<4x128xi32, #tpu.memory_space<hbm>>
    tpu.wait_dma2 semaphore(%arg13 : memref<!tpu.dma_semaphore, #tpu.memory_space<semaphore_mem>>) src(%dma_wait3A_30 : memref<4x128xi32, #tpu.memory_space<hbm>>) dst(%arg7 : memref<4x128xi32, #tpu.memory_space<vmem>>)
    %mul3A_31 = arith.constant 65536 : i32
    %mul3A_32 = arith.muli %add3A, %mul3A_31 : i32
    %get3A = arith.constant 0 : i32
    %get3A_33 = arith.index_cast %get3A : i32 to index
    %get3A_34 = arith.constant 0 : index
    %get3A_35 = tpu.vector_load %arg7[%get3A_33, %get3A_34] {strides = array<i32>} : memref<4x128xi32, #tpu.memory_space<vmem>>, vector<1x16xi32>,
    %get3A_36 = vector.shape_cast %get3A_35 : vector<1x16xi32> to vector<16xi32>
    %add3A_37 = vector.broadcast %mul3A_32 : i32 to vector<16xi32>
    %add3A_38 = arith.addi %get3A_36, %add3A_37 : vector<16xi32>
    %swap3A = arith.constant 0 : i32
    %swap3A_39 = arith.index_cast %swap3A : i32 to index
    %swap3A_40 = arith.constant 0 : index
    %swap3A_41 = tpu.vector_load %arg7[%swap3A_39, %swap3A_40] {strides = array<i32>} : memref<4x128xi32, #tpu.memory_space<vmem>>, vector<1x16xi32>,
    %swap3A_42 = vector.shape_cast %swap3A_41 : vector<1x16xi32> to vector<16xi32>
    %swap3A_43 = vector.shape_cast %add3A_38 : vector<16xi32> to vector<1x16xi32>
    tpu.vector_store %arg7[%swap3A_39, %swap3A_40], %swap3A_43 {strides = array<i32>} : memref<4x128xi32, #tpu.memory_space<vmem>>, vector<1x16xi32>,
    %get3A_44 = arith.constant 0 : i32
    %get3A_45 = arith.index_cast %get3A_44 : i32 to index
    %get3A_46 = arith.constant 16 : index
    %get3A_47 = tpu.vector_load %arg7[%get3A_45, %get3A_46] {strides = array<i32>} : memref<4x128xi32, #tpu.memory_space<vmem>>, vector<1x16xi32>,
    %get3A_48 = vector.shape_cast %get3A_47 : vector<1x16xi32> to vector<16xi32>
    %add3A_49 = vector.broadcast %mul3A_32 : i32 to vector<16xi32>
    %add3A_50 = arith.addi %get3A_48, %add3A_49 : vector<16xi32>
    %swap3A_51 = arith.constant 0 : i32
    %swap3A_52 = arith.index_cast %swap3A_51 : i32 to index
    %swap3A_53 = arith.constant 16 : index
    %swap3A_54 = tpu.vector_load %arg7[%swap3A_52, %swap3A_53] {strides = array<i32>} : memref<4x128xi32, #tpu.memory_space<vmem>>, vector<1x16xi32>,
    %swap3A_55 = vector.shape_cast %swap3A_54 : vector<1x16xi32> to vector<16xi32>
    %swap3A_56 = vector.shape_cast %add3A_50 : vector<16xi32> to vector<1x16xi32>
    tpu.vector_store %arg7[%swap3A_52, %swap3A_53], %swap3A_56 {strides = array<i32>} : memref<4x128xi32, #tpu.memory_space<vmem>>, vector<1x16xi32>,
    %get3A_57 = arith.constant 0 : i32
    %get3A_58 = arith.index_cast %get3A_57 : i32 to index
    %get3A_59 = arith.constant 32 : index
    %get3A_60 = tpu.vector_load %arg7[%get3A_58, %get3A_59] {strides = array<i32>} : memref<4x128xi32, #tpu.memory_space<vmem>>, vector<1x16xi32>,
    %get3A_61 = vector.shape_cast %get3A_60 : vector<1x16xi32> to vector<16xi32>
    %add3A_62 = vector.broadcast %mul3A_32 : i32 to vector<16xi32>
    %add3A_63 = arith.addi %get3A_61, %add3A_62 : vector<16xi32>
    %swap3A_64 = arith.constant 0 : i32
    %swap3A_65 = arith.index_cast %swap3A_64 : i32 to index
    %swap3A_66 = arith.constant 32 : index
    %swap3A_67 = tpu.vector_load %arg7[%swap3A_65, %swap3A_66] {strides = array<i32>} : memref<4x128xi32, #tpu.memory_space<vmem>>, vector<1x16xi32>,
    %swap3A_68 = vector.shape_cast %swap3A_67 : vector<1x16xi32> to vector<16xi32>
    %swap3A_69 = vector.shape_cast %add3A_63 : vector<16xi32> to vector<1x16xi32>
    tpu.vector_store %arg7[%swap3A_65, %swap3A_66], %swap3A_69 {strides = array<i32>} : memref<4x128xi32, #tpu.memory_space<vmem>>, vector<1x16xi32>,
    %get3A_70 = arith.constant 0 : i32
    %get3A_71 = arith.index_cast %get3A_70 : i32 to index
    %get3A_72 = arith.constant 48 : index
    %get3A_73 = tpu.vector_load %arg7[%get3A_71, %get3A_72] {strides = array<i32>} : memref<4x128xi32, #tpu.memory_space<vmem>>, vector<1x16xi32>,
    %get3A_74 = vector.shape_cast %get3A_73 : vector<1x16xi32> to vector<16xi32>
    %add3A_75 = vector.broadcast %mul3A_32 : i32 to vector<16xi32>
    %add3A_76 = arith.addi %get3A_74, %add3A_75 : vector<16xi32>
    %swap3A_77 = arith.constant 0 : i32
    %swap3A_78 = arith.index_cast %swap3A_77 : i32 to index
    %swap3A_79 = arith.constant 48 : index
    %swap3A_80 = tpu.vector_load %arg7[%swap3A_78, %swap3A_79] {strides = array<i32>} : memref<4x128xi32, #tpu.memory_space<vmem>>, vector<1x16xi32>,
    %swap3A_81 = vector.shape_cast %swap3A_80 : vector<1x16xi32> to vector<16xi32>
    %swap3A_82 = vector.shape_cast %add3A_76 : vector<16xi32> to vector<1x16xi32>
    tpu.vector_store %arg7[%swap3A_78, %swap3A_79], %swap3A_82 {strides = array<i32>} : memref<4x128xi32, #tpu.memory_space<vmem>>, vector<1x16xi32>,
    %get3A_83 = arith.constant 0 : i32
    %get3A_84 = arith.index_cast %get3A_83 : i32 to index
    %get3A_85 = arith.constant 64 : index
    %get3A_86 = tpu.vector_load %arg7[%get3A_84, %get3A_85] {strides = array<i32>} : memref<4x128xi32, #tpu.memory_space<vmem>>, vector<1x16xi32>,
    %get3A_87 = vector.shape_cast %get3A_86 : vector<1x16xi32> to vector<16xi32>
    %add3A_88 = vector.broadcast %mul3A_32 : i32 to vector<16xi32>
    %add3A_89 = arith.addi %get3A_87, %add3A_88 : vector<16xi32>
    %swap3A_90 = arith.constant 0 : i32
    %swap3A_91 = arith.index_cast %swap3A_90 : i32 to index
    %swap3A_92 = arith.constant 64 : index
    %swap3A_93 = tpu.vector_load %arg7[%swap3A_91, %swap3A_92] {strides = array<i32>} : memref<4x128xi32, #tpu.memory_space<vmem>>, vector<1x16xi32>,
    %swap3A_94 = vector.shape_cast %swap3A_93 : vector<1x16xi32> to vector<16xi32>
    %swap3A_95 = vector.shape_cast %add3A_89 : vector<16xi32> to vector<1x16xi32>
    tpu.vector_store %arg7[%swap3A_91, %swap3A_92], %swap3A_95 {strides = array<i32>} : memref<4x128xi32, #tpu.memory_space<vmem>>, vector<1x16xi32>,
    %get3A_96 = arith.constant 0 : i32
    %get3A_97 = arith.index_cast %get3A_96 : i32 to index
    %get3A_98 = arith.constant 80 : index
    %get3A_99 = tpu.vector_load %arg7[%get3A_97, %get3A_98] {strides = array<i32>} : memref<4x128xi32, #tpu.memory_space<vmem>>, vector<1x16xi32>,
    %get3A_100 = vector.shape_cast %get3A_99 : vector<1x16xi32> to vector<16xi32>
    %add3A_101 = vector.broadcast %mul3A_32 : i32 to vector<16xi32>
    %add3A_102 = arith.addi %get3A_100, %add3A_101 : vector<16xi32>
    %swap3A_103 = arith.constant 0 : i32
    %swap3A_104 = arith.index_cast %swap3A_103 : i32 to index
    %swap3A_105 = arith.constant 80 : index
    %swap3A_106 = tpu.vector_load %arg7[%swap3A_104, %swap3A_105] {strides = array<i32>} : memref<4x128xi32, #tpu.memory_space<vmem>>, vector<1x16xi32>,
    %swap3A_107 = vector.shape_cast %swap3A_106 : vector<1x16xi32> to vector<16xi32>
    %swap3A_108 = vector.shape_cast %add3A_102 : vector<16xi32> to vector<1x16xi32>
    tpu.vector_store %arg7[%swap3A_104, %swap3A_105], %swap3A_108 {strides = array<i32>} : memref<4x128xi32, #tpu.memory_space<vmem>>, vector<1x16xi32>,
    %get3A_109 = arith.constant 0 : i32
    %get3A_110 = arith.index_cast %get3A_109 : i32 to index
    %get3A_111 = arith.constant 96 : index
    %get3A_112 = tpu.vector_load %arg7[%get3A_110, %get3A_111] {strides = array<i32>} : memref<4x128xi32, #tpu.memory_space<vmem>>, vector<1x16xi32>,
    %get3A_113 = vector.shape_cast %get3A_112 : vector<1x16xi32> to vector<16xi32>
    %add3A_114 = vector.broadcast %mul3A_32 : i32 to vector<16xi32>
    %add3A_115 = arith.addi %get3A_113, %add3A_114 : vector<16xi32>
    %swap3A_116 = arith.constant 0 : i32
    %swap3A_117 = arith.index_cast %swap3A_116 : i32 to index
    %swap3A_118 = arith.constant 96 : index
    %swap3A_119 = tpu.vector_load %arg7[%swap3A_117, %swap3A_118] {strides = array<i32>} : memref<4x128xi32, #tpu.memory_space<vmem>>, vector<1x16xi32>,
    %swap3A_120 = vector.shape_cast %swap3A_119 : vector<1x16xi32> to vector<16xi32>
    %swap3A_121 = vector.shape_cast %add3A_115 : vector<16xi32> to vector<1x16xi32>
    tpu.vector_store %arg7[%swap3A_117, %swap3A_118], %swap3A_121 {strides = array<i32>} : memref<4x128xi32, #tpu.memory_space<vmem>>, vector<1x16xi32>,
    %get3A_122 = arith.constant 0 : i32
    %get3A_123 = arith.index_cast %get3A_122 : i32 to index
    %get3A_124 = arith.constant 112 : index
    %get3A_125 = tpu.vector_load %arg7[%get3A_123, %get3A_124] {strides = array<i32>} : memref<4x128xi32, #tpu.memory_space<vmem>>, vector<1x16xi32>,
    %get3A_126 = vector.shape_cast %get3A_125 : vector<1x16xi32> to vector<16xi32>
    %add3A_127 = vector.broadcast %mul3A_32 : i32 to vector<16xi32>
    %add3A_128 = arith.addi %get3A_126, %add3A_127 : vector<16xi32>
    %swap3A_129 = arith.constant 0 : i32
    %swap3A_130 = arith.index_cast %swap3A_129 : i32 to index
    %swap3A_131 = arith.constant 112 : index
    %swap3A_132 = tpu.vector_load %arg7[%swap3A_130, %swap3A_131] {strides = array<i32>} : memref<4x128xi32, #tpu.memory_space<vmem>>, vector<1x16xi32>,
    %swap3A_133 = vector.shape_cast %swap3A_132 : vector<1x16xi32> to vector<16xi32>
    %swap3A_134 = vector.shape_cast %add3A_128 : vector<16xi32> to vector<1x16xi32>
    tpu.vector_store %arg7[%swap3A_130, %swap3A_131], %swap3A_134 {strides = array<i32>} : memref<4x128xi32, #tpu.memory_space<vmem>>, vector<1x16xi32>,
    %get3A_135 = arith.constant 1 : i32
    %get3A_136 = arith.index_cast %get3A_135 : i32 to index
    %get3A_137 = arith.constant 0 : index
    %get3A_138 = tpu.vector_load %arg7[%get3A_136, %get3A_137] {strides = array<i32>} : memref<4x128xi32, #tpu.memory_space<vmem>>, vector<1x16xi32>,
    %get3A_139 = vector.shape_cast %get3A_138 : vector<1x16xi32> to vector<16xi32>
    %add3A_140 = vector.broadcast %mul3A_32 : i32 to vector<16xi32>
    %add3A_141 = arith.addi %get3A_139, %add3A_140 : vector<16xi32>
    %swap3A_142 = arith.constant 1 : i32
    %swap3A_143 = arith.index_cast %swap3A_142 : i32 to index
    %swap3A_144 = arith.constant 0 : index
    %swap3A_145 = tpu.vector_load %arg7[%swap3A_143, %swap3A_144] {strides = array<i32>} : memref<4x128xi32, #tpu.memory_space<vmem>>, vector<1x16xi32>,
    %swap3A_146 = vector.shape_cast %swap3A_145 : vector<1x16xi32> to vector<16xi32>
    %swap3A_147 = vector.shape_cast %add3A_141 : vector<16xi32> to vector<1x16xi32>
    tpu.vector_store %arg7[%swap3A_143, %swap3A_144], %swap3A_147 {strides = array<i32>} : memref<4x128xi32, #tpu.memory_space<vmem>>, vector<1x16xi32>,
    %get3A_148 = arith.constant 1 : i32
    %get3A_149 = arith.index_cast %get3A_148 : i32 to index
    %get3A_150 = arith.constant 16 : index
    %get3A_151 = tpu.vector_load %arg7[%get3A_149, %get3A_150] {strides = array<i32>} : memref<4x128xi32, #tpu.memory_space<vmem>>, vector<1x16xi32>,
    %get3A_152 = vector.shape_cast %get3A_151 : vector<1x16xi32> to vector<16xi32>
    %add3A_153 = vector.broadcast %mul3A_32 : i32 to vector<16xi32>
    %add3A_154 = arith.addi %get3A_152, %add3A_153 : vector<16xi32>
    %swap3A_155 = arith.constant 1 : i32
    %swap3A_156 = arith.index_cast %swap3A_155 : i32 to index
    %swap3A_157 = arith.constant 16 : index
    %swap3A_158 = tpu.vector_load %arg7[%swap3A_156, %swap3A_157] {strides = array<i32>} : memref<4x128xi32, #tpu.memory_space<vmem>>, vector<1x16xi32>,
    %swap3A_159 = vector.shape_cast %swap3A_158 : vector<1x16xi32> to vector<16xi32>
    %swap3A_160 = vector.shape_cast %add3A_154 : vector<16xi32> to vector<1x16xi32>
    tpu.vector_store %arg7[%swap3A_156, %swap3A_157], %swap3A_160 {strides = array<i32>} : memref<4x128xi32, #tpu.memory_space<vmem>>, vector<1x16xi32>,
    %get3A_161 = arith.constant 1 : i32
    %get3A_162 = arith.index_cast %get3A_161 : i32 to index
    %get3A_163 = arith.constant 32 : index
    %get3A_164 = tpu.vector_load %arg7[%get3A_162, %get3A_163] {strides = array<i32>} : memref<4x128xi32, #tpu.memory_space<vmem>>, vector<1x16xi32>,
    %get3A_165 = vector.shape_cast %get3A_164 : vector<1x16xi32> to vector<16xi32>
    %add3A_166 = vector.broadcast %mul3A_32 : i32 to vector<16xi32>
    %add3A_167 = arith.addi %get3A_165, %add3A_166 : vector<16xi32>
    %swap3A_168 = arith.constant 1 : i32
    %swap3A_169 = arith.index_cast %swap3A_168 : i32 to index
    %swap3A_170 = arith.constant 32 : index
    %swap3A_171 = tpu.vector_load %arg7[%swap3A_169, %swap3A_170] {strides = array<i32>} : memref<4x128xi32, #tpu.memory_space<vmem>>, vector<1x16xi32>,
    %swap3A_172 = vector.shape_cast %swap3A_171 : vector<1x16xi32> to vector<16xi32>
    %swap3A_173 = vector.shape_cast %add3A_167 : vector<16xi32> to vector<1x16xi32>
    tpu.vector_store %arg7[%swap3A_169, %swap3A_170], %swap3A_173 {strides = array<i32>} : memref<4x128xi32, #tpu.memory_space<vmem>>, vector<1x16xi32>,
    %get3A_174 = arith.constant 1 : i32
    %get3A_175 = arith.index_cast %get3A_174 : i32 to index
    %get3A_176 = arith.constant 48 : index
    %get3A_177 = tpu.vector_load %arg7[%get3A_175, %get3A_176] {strides = array<i32>} : memref<4x128xi32, #tpu.memory_space<vmem>>, vector<1x16xi32>,
    %get3A_178 = vector.shape_cast %get3A_177 : vector<1x16xi32> to vector<16xi32>
    %add3A_179 = vector.broadcast %mul3A_32 : i32 to vector<16xi32>
    %add3A_180 = arith.addi %get3A_178, %add3A_179 : vector<16xi32>
    %swap3A_181 = arith.constant 1 : i32
    %swap3A_182 = arith.index_cast %swap3A_181 : i32 to index
    %swap3A_183 = arith.constant 48 : index
    %swap3A_184 = tpu.vector_load %arg7[%swap3A_182, %swap3A_183] {strides = array<i32>} : memref<4x128xi32, #tpu.memory_space<vmem>>, vector<1x16xi32>,
    %swap3A_185 = vector.shape_cast %swap3A_184 : vector<1x16xi32> to vector<16xi32>
    %swap3A_186 = vector.shape_cast %add3A_180 : vector<16xi32> to vector<1x16xi32>
    tpu.vector_store %arg7[%swap3A_182, %swap3A_183], %swap3A_186 {strides = array<i32>} : memref<4x128xi32, #tpu.memory_space<vmem>>, vector<1x16xi32>,
    %get3A_187 = arith.constant 1 : i32
    %get3A_188 = arith.index_cast %get3A_187 : i32 to index
    %get3A_189 = arith.constant 64 : index
    %get3A_190 = tpu.vector_load %arg7[%get3A_188, %get3A_189] {strides = array<i32>} : memref<4x128xi32, #tpu.memory_space<vmem>>, vector<1x16xi32>,
    %get3A_191 = vector.shape_cast %get3A_190 : vector<1x16xi32> to vector<16xi32>
    %add3A_192 = vector.broadcast %mul3A_32 : i32 to vector<16xi32>
    %add3A_193 = arith.addi %get3A_191, %add3A_192 : vector<16xi32>
    %swap3A_194 = arith.constant 1 : i32
    %swap3A_195 = arith.index_cast %swap3A_194 : i32 to index
    %swap3A_196 = arith.constant 64 : index
    %swap3A_197 = tpu.vector_load %arg7[%swap3A_195, %swap3A_196] {strides = array<i32>} : memref<4x128xi32, #tpu.memory_space<vmem>>, vector<1x16xi32>,
    %swap3A_198 = vector.shape_cast %swap3A_197 : vector<1x16xi32> to vector<16xi32>
    %swap3A_199 = vector.shape_cast %add3A_193 : vector<16xi32> to vector<1x16xi32>
    tpu.vector_store %arg7[%swap3A_195, %swap3A_196], %swap3A_199 {strides = array<i32>} : memref<4x128xi32, #tpu.memory_space<vmem>>, vector<1x16xi32>,
    %get3A_200 = arith.constant 1 : i32
    %get3A_201 = arith.index_cast %get3A_200 : i32 to index
    %get3A_202 = arith.constant 80 : index
    %get3A_203 = tpu.vector_load %arg7[%get3A_201, %get3A_202] {strides = array<i32>} : memref<4x128xi32, #tpu.memory_space<vmem>>, vector<1x16xi32>,
    %get3A_204 = vector.shape_cast %get3A_203 : vector<1x16xi32> to vector<16xi32>
    %add3A_205 = vector.broadcast %mul3A_32 : i32 to vector<16xi32>
    %add3A_206 = arith.addi %get3A_204, %add3A_205 : vector<16xi32>
    %swap3A_207 = arith.constant 1 : i32
    %swap3A_208 = arith.index_cast %swap3A_207 : i32 to index
    %swap3A_209 = arith.constant 80 : index
    %swap3A_210 = tpu.vector_load %arg7[%swap3A_208, %swap3A_209] {strides = array<i32>} : memref<4x128xi32, #tpu.memory_space<vmem>>, vector<1x16xi32>,
    %swap3A_211 = vector.shape_cast %swap3A_210 : vector<1x16xi32> to vector<16xi32>
    %swap3A_212 = vector.shape_cast %add3A_206 : vector<16xi32> to vector<1x16xi32>
    tpu.vector_store %arg7[%swap3A_208, %swap3A_209], %swap3A_212 {strides = array<i32>} : memref<4x128xi32, #tpu.memory_space<vmem>>, vector<1x16xi32>,
    %get3A_213 = arith.constant 1 : i32
    %get3A_214 = arith.index_cast %get3A_213 : i32 to index
    %get3A_215 = arith.constant 96 : index
    %get3A_216 = tpu.vector_load %arg7[%get3A_214, %get3A_215] {strides = array<i32>} : memref<4x128xi32, #tpu.memory_space<vmem>>, vector<1x16xi32>,
    %get3A_217 = vector.shape_cast %get3A_216 : vector<1x16xi32> to vector<16xi32>
    %add3A_218 = vector.broadcast %mul3A_32 : i32 to vector<16xi32>
    %add3A_219 = arith.addi %get3A_217, %add3A_218 : vector<16xi32>
    %swap3A_220 = arith.constant 1 : i32
    %swap3A_221 = arith.index_cast %swap3A_220 : i32 to index
    %swap3A_222 = arith.constant 96 : index
    %swap3A_223 = tpu.vector_load %arg7[%swap3A_221, %swap3A_222] {strides = array<i32>} : memref<4x128xi32, #tpu.memory_space<vmem>>, vector<1x16xi32>,
    %swap3A_224 = vector.shape_cast %swap3A_223 : vector<1x16xi32> to vector<16xi32>
    %swap3A_225 = vector.shape_cast %add3A_219 : vector<16xi32> to vector<1x16xi32>
    tpu.vector_store %arg7[%swap3A_221, %swap3A_222], %swap3A_225 {strides = array<i32>} : memref<4x128xi32, #tpu.memory_space<vmem>>, vector<1x16xi32>,
    %get3A_226 = arith.constant 1 : i32
    %get3A_227 = arith.index_cast %get3A_226 : i32 to index
    %get3A_228 = arith.constant 112 : index
    %get3A_229 = tpu.vector_load %arg7[%get3A_227, %get3A_228] {strides = array<i32>} : memref<4x128xi32, #tpu.memory_space<vmem>>, vector<1x16xi32>,
    %get3A_230 = vector.shape_cast %get3A_229 : vector<1x16xi32> to vector<16xi32>
    %add3A_231 = vector.broadcast %mul3A_32 : i32 to vector<16xi32>
    %add3A_232 = arith.addi %get3A_230, %add3A_231 : vector<16xi32>
    %swap3A_233 = arith.constant 1 : i32
    %swap3A_234 = arith.index_cast %swap3A_233 : i32 to index
    %swap3A_235 = arith.constant 112 : index
    %swap3A_236 = tpu.vector_load %arg7[%swap3A_234, %swap3A_235] {strides = array<i32>} : memref<4x128xi32, #tpu.memory_space<vmem>>, vector<1x16xi32>,
    %swap3A_237 = vector.shape_cast %swap3A_236 : vector<1x16xi32> to vector<16xi32>
    %swap3A_238 = vector.shape_cast %add3A_232 : vector<16xi32> to vector<1x16xi32>
    tpu.vector_store %arg7[%swap3A_234, %swap3A_235], %swap3A_238 {strides = array<i32>} : memref<4x128xi32, #tpu.memory_space<vmem>>, vector<1x16xi32>,
    %get3A_239 = arith.constant 2 : i32
    %get3A_240 = arith.index_cast %get3A_239 : i32 to index
    %get3A_241 = arith.constant 0 : index
    %get3A_242 = tpu.vector_load %arg7[%get3A_240, %get3A_241] {strides = array<i32>} : memref<4x128xi32, #tpu.memory_space<vmem>>, vector<1x16xi32>,
    %get3A_243 = vector.shape_cast %get3A_242 : vector<1x16xi32> to vector<16xi32>
    %add3A_244 = vector.broadcast %mul3A_32 : i32 to vector<16xi32>
    %add3A_245 = arith.addi %get3A_243, %add3A_244 : vector<16xi32>
    %swap3A_246 = arith.constant 2 : i32
    %swap3A_247 = arith.index_cast %swap3A_246 : i32 to index
    %swap3A_248 = arith.constant 0 : index
    %swap3A_249 = tpu.vector_load %arg7[%swap3A_247, %swap3A_248] {strides = array<i32>} : memref<4x128xi32, #tpu.memory_space<vmem>>, vector<1x16xi32>,
    %swap3A_250 = vector.shape_cast %swap3A_249 : vector<1x16xi32> to vector<16xi32>
    %swap3A_251 = vector.shape_cast %add3A_245 : vector<16xi32> to vector<1x16xi32>
    tpu.vector_store %arg7[%swap3A_247, %swap3A_248], %swap3A_251 {strides = array<i32>} : memref<4x128xi32, #tpu.memory_space<vmem>>, vector<1x16xi32>,
    %get3A_252 = arith.constant 2 : i32
    %get3A_253 = arith.index_cast %get3A_252 : i32 to index
    %get3A_254 = arith.constant 16 : index
    %get3A_255 = tpu.vector_load %arg7[%get3A_253, %get3A_254] {strides = array<i32>} : memref<4x128xi32, #tpu.memory_space<vmem>>, vector<1x16xi32>,
    %get3A_256 = vector.shape_cast %get3A_255 : vector<1x16xi32> to vector<16xi32>
    %add3A_257 = vector.broadcast %mul3A_32 : i32 to vector<16xi32>
    %add3A_258 = arith.addi %get3A_256, %add3A_257 : vector<16xi32>
    %swap3A_259 = arith.constant 2 : i32
    %swap3A_260 = arith.index_cast %swap3A_259 : i32 to index
    %swap3A_261 = arith.constant 16 : index
    %swap3A_262 = tpu.vector_load %arg7[%swap3A_260, %swap3A_261] {strides = array<i32>} : memref<4x128xi32, #tpu.memory_space<vmem>>, vector<1x16xi32>,
    %swap3A_263 = vector.shape_cast %swap3A_262 : vector<1x16xi32> to vector<16xi32>
    %swap3A_264 = vector.shape_cast %add3A_258 : vector<16xi32> to vector<1x16xi32>
    tpu.vector_store %arg7[%swap3A_260, %swap3A_261], %swap3A_264 {strides = array<i32>} : memref<4x128xi32, #tpu.memory_space<vmem>>, vector<1x16xi32>,
    %get3A_265 = arith.constant 2 : i32
    %get3A_266 = arith.index_cast %get3A_265 : i32 to index
    %get3A_267 = arith.constant 32 : index
    %get3A_268 = tpu.vector_load %arg7[%get3A_266, %get3A_267] {strides = array<i32>} : memref<4x128xi32, #tpu.memory_space<vmem>>, vector<1x16xi32>,
    %get3A_269 = vector.shape_cast %get3A_268 : vector<1x16xi32> to vector<16xi32>
    %add3A_270 = vector.broadcast %mul3A_32 : i32 to vector<16xi32>
    %add3A_271 = arith.addi %get3A_269, %add3A_270 : vector<16xi32>
    %swap3A_272 = arith.constant 2 : i32
    %swap3A_273 = arith.index_cast %swap3A_272 : i32 to index
    %swap3A_274 = arith.constant 32 : index
    %swap3A_275 = tpu.vector_load %arg7[%swap3A_273, %swap3A_274] {strides = array<i32>} : memref<4x128xi32, #tpu.memory_space<vmem>>, vector<1x16xi32>,
    %swap3A_276 = vector.shape_cast %swap3A_275 : vector<1x16xi32> to vector<16xi32>
    %swap3A_277 = vector.shape_cast %add3A_271 : vector<16xi32> to vector<1x16xi32>
    tpu.vector_store %arg7[%swap3A_273, %swap3A_274], %swap3A_277 {strides = array<i32>} : memref<4x128xi32, #tpu.memory_space<vmem>>, vector<1x16xi32>,
    %get3A_278 = arith.constant 2 : i32
    %get3A_279 = arith.index_cast %get3A_278 : i32 to index
    %get3A_280 = arith.constant 48 : index
    %get3A_281 = tpu.vector_load %arg7[%get3A_279, %get3A_280] {strides = array<i32>} : memref<4x128xi32, #tpu.memory_space<vmem>>, vector<1x16xi32>,
    %get3A_282 = vector.shape_cast %get3A_281 : vector<1x16xi32> to vector<16xi32>
    %add3A_283 = vector.broadcast %mul3A_32 : i32 to vector<16xi32>
    %add3A_284 = arith.addi %get3A_282, %add3A_283 : vector<16xi32>
    %swap3A_285 = arith.constant 2 : i32
    %swap3A_286 = arith.index_cast %swap3A_285 : i32 to index
    %swap3A_287 = arith.constant 48 : index
    %swap3A_288 = tpu.vector_load %arg7[%swap3A_286, %swap3A_287] {strides = array<i32>} : memref<4x128xi32, #tpu.memory_space<vmem>>, vector<1x16xi32>,
    %swap3A_289 = vector.shape_cast %swap3A_288 : vector<1x16xi32> to vector<16xi32>
    %swap3A_290 = vector.shape_cast %add3A_284 : vector<16xi32> to vector<1x16xi32>
    tpu.vector_store %arg7[%swap3A_286, %swap3A_287], %swap3A_290 {strides = array<i32>} : memref<4x128xi32, #tpu.memory_space<vmem>>, vector<1x16xi32>,
    %get3A_291 = arith.constant 2 : i32
    %get3A_292 = arith.index_cast %get3A_291 : i32 to index
    %get3A_293 = arith.constant 64 : index
    %get3A_294 = tpu.vector_load %arg7[%get3A_292, %get3A_293] {strides = array<i32>} : memref<4x128xi32, #tpu.memory_space<vmem>>, vector<1x16xi32>,
    %get3A_295 = vector.shape_cast %get3A_294 : vector<1x16xi32> to vector<16xi32>
    %add3A_296 = vector.broadcast %mul3A_32 : i32 to vector<16xi32>
    %add3A_297 = arith.addi %get3A_295, %add3A_296 : vector<16xi32>
    %swap3A_298 = arith.constant 2 : i32
    %swap3A_299 = arith.index_cast %swap3A_298 : i32 to index
    %swap3A_300 = arith.constant 64 : index
    %swap3A_301 = tpu.vector_load %arg7[%swap3A_299, %swap3A_300] {strides = array<i32>} : memref<4x128xi32, #tpu.memory_space<vmem>>, vector<1x16xi32>,
    %swap3A_302 = vector.shape_cast %swap3A_301 : vector<1x16xi32> to vector<16xi32>
    %swap3A_303 = vector.shape_cast %add3A_297 : vector<16xi32> to vector<1x16xi32>
    tpu.vector_store %arg7[%swap3A_299, %swap3A_300], %swap3A_303 {strides = array<i32>} : memref<4x128xi32, #tpu.memory_space<vmem>>, vector<1x16xi32>,
    %get3A_304 = arith.constant 2 : i32
    %get3A_305 = arith.index_cast %get3A_304 : i32 to index
    %get3A_306 = arith.constant 80 : index
    %get3A_307 = tpu.vector_load %arg7[%get3A_305, %get3A_306] {strides = array<i32>} : memref<4x128xi32, #tpu.memory_space<vmem>>, vector<1x16xi32>,
    %get3A_308 = vector.shape_cast %get3A_307 : vector<1x16xi32> to vector<16xi32>
    %add3A_309 = vector.broadcast %mul3A_32 : i32 to vector<16xi32>
    %add3A_310 = arith.addi %get3A_308, %add3A_309 : vector<16xi32>
    %swap3A_311 = arith.constant 2 : i32
    %swap3A_312 = arith.index_cast %swap3A_311 : i32 to index
    %swap3A_313 = arith.constant 80 : index
    %swap3A_314 = tpu.vector_load %arg7[%swap3A_312, %swap3A_313] {strides = array<i32>} : memref<4x128xi32, #tpu.memory_space<vmem>>, vector<1x16xi32>,
    %swap3A_315 = vector.shape_cast %swap3A_314 : vector<1x16xi32> to vector<16xi32>
    %swap3A_316 = vector.shape_cast %add3A_310 : vector<16xi32> to vector<1x16xi32>
    tpu.vector_store %arg7[%swap3A_312, %swap3A_313], %swap3A_316 {strides = array<i32>} : memref<4x128xi32, #tpu.memory_space<vmem>>, vector<1x16xi32>,
    %get3A_317 = arith.constant 2 : i32
    %get3A_318 = arith.index_cast %get3A_317 : i32 to index
    %get3A_319 = arith.constant 96 : index
    %get3A_320 = tpu.vector_load %arg7[%get3A_318, %get3A_319] {strides = array<i32>} : memref<4x128xi32, #tpu.memory_space<vmem>>, vector<1x16xi32>,
    %get3A_321 = vector.shape_cast %get3A_320 : vector<1x16xi32> to vector<16xi32>
    %add3A_322 = vector.broadcast %mul3A_32 : i32 to vector<16xi32>
    %add3A_323 = arith.addi %get3A_321, %add3A_322 : vector<16xi32>
    %swap3A_324 = arith.constant 2 : i32
    %swap3A_325 = arith.index_cast %swap3A_324 : i32 to index
    %swap3A_326 = arith.constant 96 : index
    %swap3A_327 = tpu.vector_load %arg7[%swap3A_325, %swap3A_326] {strides = array<i32>} : memref<4x128xi32, #tpu.memory_space<vmem>>, vector<1x16xi32>,
    %swap3A_328 = vector.shape_cast %swap3A_327 : vector<1x16xi32> to vector<16xi32>
    %swap3A_329 = vector.shape_cast %add3A_323 : vector<16xi32> to vector<1x16xi32>
    tpu.vector_store %arg7[%swap3A_325, %swap3A_326], %swap3A_329 {strides = array<i32>} : memref<4x128xi32, #tpu.memory_space<vmem>>, vector<1x16xi32>,
    %get3A_330 = arith.constant 2 : i32
    %get3A_331 = arith.index_cast %get3A_330 : i32 to index
    %get3A_332 = arith.constant 112 : index
    %get3A_333 = tpu.vector_load %arg7[%get3A_331, %get3A_332] {strides = array<i32>} : memref<4x128xi32, #tpu.memory_space<vmem>>, vector<1x16xi32>,
    %get3A_334 = vector.shape_cast %get3A_333 : vector<1x16xi32> to vector<16xi32>
    %add3A_335 = vector.broadcast %mul3A_32 : i32 to vector<16xi32>
    %add3A_336 = arith.addi %get3A_334, %add3A_335 : vector<16xi32>
    %swap3A_337 = arith.constant 2 : i32
    %swap3A_338 = arith.index_cast %swap3A_337 : i32 to index
    %swap3A_339 = arith.constant 112 : index
    %swap3A_340 = tpu.vector_load %arg7[%swap3A_338, %swap3A_339] {strides = array<i32>} : memref<4x128xi32, #tpu.memory_space<vmem>>, vector<1x16xi32>,
    %swap3A_341 = vector.shape_cast %swap3A_340 : vector<1x16xi32> to vector<16xi32>
    %swap3A_342 = vector.shape_cast %add3A_336 : vector<16xi32> to vector<1x16xi32>
    tpu.vector_store %arg7[%swap3A_338, %swap3A_339], %swap3A_342 {strides = array<i32>} : memref<4x128xi32, #tpu.memory_space<vmem>>, vector<1x16xi32>,
    %get3A_343 = arith.constant 3 : i32
    %get3A_344 = arith.index_cast %get3A_343 : i32 to index
    %get3A_345 = arith.constant 0 : index
    %get3A_346 = tpu.vector_load %arg7[%get3A_344, %get3A_345] {strides = array<i32>} : memref<4x128xi32, #tpu.memory_space<vmem>>, vector<1x16xi32>,
    %get3A_347 = vector.shape_cast %get3A_346 : vector<1x16xi32> to vector<16xi32>
    %add3A_348 = vector.broadcast %mul3A_32 : i32 to vector<16xi32>
    %add3A_349 = arith.addi %get3A_347, %add3A_348 : vector<16xi32>
    %swap3A_350 = arith.constant 3 : i32
    %swap3A_351 = arith.index_cast %swap3A_350 : i32 to index
    %swap3A_352 = arith.constant 0 : index
    %swap3A_353 = tpu.vector_load %arg7[%swap3A_351, %swap3A_352] {strides = array<i32>} : memref<4x128xi32, #tpu.memory_space<vmem>>, vector<1x16xi32>,
    %swap3A_354 = vector.shape_cast %swap3A_353 : vector<1x16xi32> to vector<16xi32>
    %swap3A_355 = vector.shape_cast %add3A_349 : vector<16xi32> to vector<1x16xi32>
    tpu.vector_store %arg7[%swap3A_351, %swap3A_352], %swap3A_355 {strides = array<i32>} : memref<4x128xi32, #tpu.memory_space<vmem>>, vector<1x16xi32>,
    %get3A_356 = arith.constant 3 : i32
    %get3A_357 = arith.index_cast %get3A_356 : i32 to index
    %get3A_358 = arith.constant 16 : index
    %get3A_359 = tpu.vector_load %arg7[%get3A_357, %get3A_358] {strides = array<i32>} : memref<4x128xi32, #tpu.memory_space<vmem>>, vector<1x16xi32>,
    %get3A_360 = vector.shape_cast %get3A_359 : vector<1x16xi32> to vector<16xi32>
    %add3A_361 = vector.broadcast %mul3A_32 : i32 to vector<16xi32>
    %add3A_362 = arith.addi %get3A_360, %add3A_361 : vector<16xi32>
    %swap3A_363 = arith.constant 3 : i32
    %swap3A_364 = arith.index_cast %swap3A_363 : i32 to index
    %swap3A_365 = arith.constant 16 : index
    %swap3A_366 = tpu.vector_load %arg7[%swap3A_364, %swap3A_365] {strides = array<i32>} : memref<4x128xi32, #tpu.memory_space<vmem>>, vector<1x16xi32>,
    %swap3A_367 = vector.shape_cast %swap3A_366 : vector<1x16xi32> to vector<16xi32>
    %swap3A_368 = vector.shape_cast %add3A_362 : vector<16xi32> to vector<1x16xi32>
    tpu.vector_store %arg7[%swap3A_364, %swap3A_365], %swap3A_368 {strides = array<i32>} : memref<4x128xi32, #tpu.memory_space<vmem>>, vector<1x16xi32>,
    %get3A_369 = arith.constant 3 : i32
    %get3A_370 = arith.index_cast %get3A_369 : i32 to index
    %get3A_371 = arith.constant 32 : index
    %get3A_372 = tpu.vector_load %arg7[%get3A_370, %get3A_371] {strides = array<i32>} : memref<4x128xi32, #tpu.memory_space<vmem>>, vector<1x16xi32>,
    %get3A_373 = vector.shape_cast %get3A_372 : vector<1x16xi32> to vector<16xi32>
    %add3A_374 = vector.broadcast %mul3A_32 : i32 to vector<16xi32>
    %add3A_375 = arith.addi %get3A_373, %add3A_374 : vector<16xi32>
    %swap3A_376 = arith.constant 3 : i32
    %swap3A_377 = arith.index_cast %swap3A_376 : i32 to index
    %swap3A_378 = arith.constant 32 : index
    %swap3A_379 = tpu.vector_load %arg7[%swap3A_377, %swap3A_378] {strides = array<i32>} : memref<4x128xi32, #tpu.memory_space<vmem>>, vector<1x16xi32>,
    %swap3A_380 = vector.shape_cast %swap3A_379 : vector<1x16xi32> to vector<16xi32>
    %swap3A_381 = vector.shape_cast %add3A_375 : vector<16xi32> to vector<1x16xi32>
    tpu.vector_store %arg7[%swap3A_377, %swap3A_378], %swap3A_381 {strides = array<i32>} : memref<4x128xi32, #tpu.memory_space<vmem>>, vector<1x16xi32>,
    %get3A_382 = arith.constant 3 : i32
    %get3A_383 = arith.index_cast %get3A_382 : i32 to index
    %get3A_384 = arith.constant 48 : index
    %get3A_385 = tpu.vector_load %arg7[%get3A_383, %get3A_384] {strides = array<i32>} : memref<4x128xi32, #tpu.memory_space<vmem>>, vector<1x16xi32>,
    %get3A_386 = vector.shape_cast %get3A_385 : vector<1x16xi32> to vector<16xi32>
    %add3A_387 = vector.broadcast %mul3A_32 : i32 to vector<16xi32>
    %add3A_388 = arith.addi %get3A_386, %add3A_387 : vector<16xi32>
    %swap3A_389 = arith.constant 3 : i32
    %swap3A_390 = arith.index_cast %swap3A_389 : i32 to index
    %swap3A_391 = arith.constant 48 : index
    %swap3A_392 = tpu.vector_load %arg7[%swap3A_390, %swap3A_391] {strides = array<i32>} : memref<4x128xi32, #tpu.memory_space<vmem>>, vector<1x16xi32>,
    %swap3A_393 = vector.shape_cast %swap3A_392 : vector<1x16xi32> to vector<16xi32>
    %swap3A_394 = vector.shape_cast %add3A_388 : vector<16xi32> to vector<1x16xi32>
    tpu.vector_store %arg7[%swap3A_390, %swap3A_391], %swap3A_394 {strides = array<i32>} : memref<4x128xi32, #tpu.memory_space<vmem>>, vector<1x16xi32>,
    %get3A_395 = arith.constant 3 : i32
    %get3A_396 = arith.index_cast %get3A_395 : i32 to index
    %get3A_397 = arith.constant 64 : index
    %get3A_398 = tpu.vector_load %arg7[%get3A_396, %get3A_397] {strides = array<i32>} : memref<4x128xi32, #tpu.memory_space<vmem>>, vector<1x16xi32>,
    %get3A_399 = vector.shape_cast %get3A_398 : vector<1x16xi32> to vector<16xi32>
    %add3A_400 = vector.broadcast %mul3A_32 : i32 to vector<16xi32>
    %add3A_401 = arith.addi %get3A_399, %add3A_400 : vector<16xi32>
    %swap3A_402 = arith.constant 3 : i32
    %swap3A_403 = arith.index_cast %swap3A_402 : i32 to index
    %swap3A_404 = arith.constant 64 : index
    %swap3A_405 = tpu.vector_load %arg7[%swap3A_403, %swap3A_404] {strides = array<i32>} : memref<4x128xi32, #tpu.memory_space<vmem>>, vector<1x16xi32>,
    %swap3A_406 = vector.shape_cast %swap3A_405 : vector<1x16xi32> to vector<16xi32>
    %swap3A_407 = vector.shape_cast %add3A_401 : vector<16xi32> to vector<1x16xi32>
    tpu.vector_store %arg7[%swap3A_403, %swap3A_404], %swap3A_407 {strides = array<i32>} : memref<4x128xi32, #tpu.memory_space<vmem>>, vector<1x16xi32>,
    %get3A_408 = arith.constant 3 : i32
    %get3A_409 = arith.index_cast %get3A_408 : i32 to index
    %get3A_410 = arith.constant 80 : index
    %get3A_411 = tpu.vector_load %arg7[%get3A_409, %get3A_410] {strides = array<i32>} : memref<4x128xi32, #tpu.memory_space<vmem>>, vector<1x16xi32>,
    %get3A_412 = vector.shape_cast %get3A_411 : vector<1x16xi32> to vector<16xi32>
    %add3A_413 = vector.broadcast %mul3A_32 : i32 to vector<16xi32>
    %add3A_414 = arith.addi %get3A_412, %add3A_413 : vector<16xi32>
    %swap3A_415 = arith.constant 3 : i32
    %swap3A_416 = arith.index_cast %swap3A_415 : i32 to index
    %swap3A_417 = arith.constant 80 : index
    %swap3A_418 = tpu.vector_load %arg7[%swap3A_416, %swap3A_417] {strides = array<i32>} : memref<4x128xi32, #tpu.memory_space<vmem>>, vector<1x16xi32>,
    %swap3A_419 = vector.shape_cast %swap3A_418 : vector<1x16xi32> to vector<16xi32>
    %swap3A_420 = vector.shape_cast %add3A_414 : vector<16xi32> to vector<1x16xi32>
    tpu.vector_store %arg7[%swap3A_416, %swap3A_417], %swap3A_420 {strides = array<i32>} : memref<4x128xi32, #tpu.memory_space<vmem>>, vector<1x16xi32>,
    %get3A_421 = arith.constant 3 : i32
    %get3A_422 = arith.index_cast %get3A_421 : i32 to index
    %get3A_423 = arith.constant 96 : index
    %get3A_424 = tpu.vector_load %arg7[%get3A_422, %get3A_423] {strides = array<i32>} : memref<4x128xi32, #tpu.memory_space<vmem>>, vector<1x16xi32>,
    %get3A_425 = vector.shape_cast %get3A_424 : vector<1x16xi32> to vector<16xi32>
    %add3A_426 = vector.broadcast %mul3A_32 : i32 to vector<16xi32>
    %add3A_427 = arith.addi %get3A_425, %add3A_426 : vector<16xi32>
    %swap3A_428 = arith.constant 3 : i32
    %swap3A_429 = arith.index_cast %swap3A_428 : i32 to index
    %swap3A_430 = arith.constant 96 : index
    %swap3A_431 = tpu.vector_load %arg7[%swap3A_429, %swap3A_430] {strides = array<i32>} : memref<4x128xi32, #tpu.memory_space<vmem>>, vector<1x16xi32>,
    %swap3A_432 = vector.shape_cast %swap3A_431 : vector<1x16xi32> to vector<16xi32>
    %swap3A_433 = vector.shape_cast %add3A_427 : vector<16xi32> to vector<1x16xi32>
    tpu.vector_store %arg7[%swap3A_429, %swap3A_430], %swap3A_433 {strides = array<i32>} : memref<4x128xi32, #tpu.memory_space<vmem>>, vector<1x16xi32>,
    %get3A_434 = arith.constant 3 : i32
    %get3A_435 = arith.index_cast %get3A_434 : i32 to index
    %get3A_436 = arith.constant 112 : index
    %get3A_437 = tpu.vector_load %arg7[%get3A_435, %get3A_436] {strides = array<i32>} : memref<4x128xi32, #tpu.memory_space<vmem>>, vector<1x16xi32>,
    %get3A_438 = vector.shape_cast %get3A_437 : vector<1x16xi32> to vector<16xi32>
    %add3A_439 = vector.broadcast %mul3A_32 : i32 to vector<16xi32>
    %add3A_440 = arith.addi %get3A_438, %add3A_439 : vector<16xi32>
    %swap3A_441 = arith.constant 3 : i32
    %swap3A_442 = arith.index_cast %swap3A_441 : i32 to index
    %swap3A_443 = arith.constant 112 : index
    %swap3A_444 = tpu.vector_load %arg7[%swap3A_442, %swap3A_443] {strides = array<i32>} : memref<4x128xi32, #tpu.memory_space<vmem>>, vector<1x16xi32>,
    %swap3A_445 = vector.shape_cast %swap3A_444 : vector<1x16xi32> to vector<16xi32>
    %swap3A_446 = vector.shape_cast %add3A_440 : vector<16xi32> to vector<1x16xi32>
    tpu.vector_store %arg7[%swap3A_442, %swap3A_443], %swap3A_446 {strides = array<i32>} : memref<4x128xi32, #tpu.memory_space<vmem>>, vector<1x16xi32>,
    %dma_start3A_447 = arith.constant 0 : i32
    %dma_start3A_448 = arith.constant 0 : i32
    %dma_start3A_449 = arith.constant 0 : i32
    %dma_start3A_450 = tpu.memref_slice %arg8[%dma_start3A_448, %dma_start3A_449] : memref<4x128xf32, #tpu.memory_space<vmem>> -> memref<1x128xf32, #tpu.memory_space<vmem>>
    %dma_start3A_451 = tpu.memref_squeeze %dma_start3A_450 : memref<1x128xf32, #tpu.memory_space<vmem>> -> memref<128xf32, #tpu.memory_space<vmem>>
    %dma_start3A_452 = arith.constant 0 : i32
    %dma_start3A_453 = tpu.memref_slice %arg7[%dma_start3A_447, %dma_start3A_452] : memref<4x128xi32, #tpu.memory_space<vmem>> -> memref<1x128xi32, #tpu.memory_space<vmem>>
    %dma_start3A_454 = tpu.memref_squeeze %dma_start3A_453 : memref<1x128xi32, #tpu.memory_space<vmem>> -> memref<128xi32, #tpu.memory_space<vmem>>
    %dma_start3A_455 = arith.constant 0 : i32
    %dma_start3A_456 = tpu.memref_slice %arg2[%dma_start3A_455] : memref<2097152xf32, #tpu.memory_space<hbm>> -> memref<2097152xf32, #tpu.memory_space<hbm>>
    tpu.enqueue_indirect_dma source(%dma_start3A_456 : memref<2097152xf32, #tpu.memory_space<hbm>>) target(%dma_start3A_451 : memref<128xf32, #tpu.memory_space<vmem>>) offsets(%dma_start3A_454 : memref<128xi32, #tpu.memory_space<vmem>>) semaphore(%arg15 : memref<!tpu.dma_semaphore, #tpu.memory_space<semaphore_mem>>)
    %dma_start3A_457 = arith.constant 1 : i32
    %dma_start3A_458 = arith.constant 1 : i32
    %dma_start3A_459 = arith.constant 0 : i32
    %dma_start3A_460 = tpu.memref_slice %arg8[%dma_start3A_458, %dma_start3A_459] : memref<4x128xf32, #tpu.memory_space<vmem>> -> memref<1x128xf32, #tpu.memory_space<vmem>>
    %dma_start3A_461 = tpu.memref_squeeze %dma_start3A_460 : memref<1x128xf32, #tpu.memory_space<vmem>> -> memref<128xf32, #tpu.memory_space<vmem>>
    %dma_start3A_462 = arith.constant 0 : i32
    %dma_start3A_463 = tpu.memref_slice %arg7[%dma_start3A_457, %dma_start3A_462] : memref<4x128xi32, #tpu.memory_space<vmem>> -> memref<1x128xi32, #tpu.memory_space<vmem>>
    %dma_start3A_464 = tpu.memref_squeeze %dma_start3A_463 : memref<1x128xi32, #tpu.memory_space<vmem>> -> memref<128xi32, #tpu.memory_space<vmem>>
    %dma_start3A_465 = arith.constant 0 : i32
    %dma_start3A_466 = tpu.memref_slice %arg2[%dma_start3A_465] : memref<2097152xf32, #tpu.memory_space<hbm>> -> memref<2097152xf32, #tpu.memory_space<hbm>>
    tpu.enqueue_indirect_dma source(%dma_start3A_466 : memref<2097152xf32, #tpu.memory_space<hbm>>) target(%dma_start3A_461 : memref<128xf32, #tpu.memory_space<vmem>>) offsets(%dma_start3A_464 : memref<128xi32, #tpu.memory_space<vmem>>) semaphore(%arg15 : memref<!tpu.dma_semaphore, #tpu.memory_space<semaphore_mem>>)
    %dma_start3A_467 = arith.constant 2 : i32
    %dma_start3A_468 = arith.constant 2 : i32
    %dma_start3A_469 = arith.constant 0 : i32
    %dma_start3A_470 = tpu.memref_slice %arg8[%dma_start3A_468, %dma_start3A_469] : memref<4x128xf32, #tpu.memory_space<vmem>> -> memref<1x128xf32, #tpu.memory_space<vmem>>
    %dma_start3A_471 = tpu.memref_squeeze %dma_start3A_470 : memref<1x128xf32, #tpu.memory_space<vmem>> -> memref<128xf32, #tpu.memory_space<vmem>>
    %dma_start3A_472 = arith.constant 0 : i32
    %dma_start3A_473 = tpu.memref_slice %arg7[%dma_start3A_467, %dma_start3A_472] : memref<4x128xi32, #tpu.memory_space<vmem>> -> memref<1x128xi32, #tpu.memory_space<vmem>>
    %dma_start3A_474 = tpu.memref_squeeze %dma_start3A_473 : memref<1x128xi32, #tpu.memory_space<vmem>> -> memref<128xi32, #tpu.memory_space<vmem>>
    %dma_start3A_475 = arith.constant 0 : i32
    %dma_start3A_476 = tpu.memref_slice %arg2[%dma_start3A_475] : memref<2097152xf32, #tpu.memory_space<hbm>> -> memref<2097152xf32, #tpu.memory_space<hbm>>
    tpu.enqueue_indirect_dma source(%dma_start3A_476 : memref<2097152xf32, #tpu.memory_space<hbm>>) target(%dma_start3A_471 : memref<128xf32, #tpu.memory_space<vmem>>) offsets(%dma_start3A_474 : memref<128xi32, #tpu.memory_space<vmem>>) semaphore(%arg15 : memref<!tpu.dma_semaphore, #tpu.memory_space<semaphore_mem>>)
    %dma_start3A_477 = arith.constant 3 : i32
    %dma_start3A_478 = arith.constant 3 : i32
    %dma_start3A_479 = arith.constant 0 : i32
    %dma_start3A_480 = tpu.memref_slice %arg8[%dma_start3A_478, %dma_start3A_479] : memref<4x128xf32, #tpu.memory_space<vmem>> -> memref<1x128xf32, #tpu.memory_space<vmem>>
    %dma_start3A_481 = tpu.memref_squeeze %dma_start3A_480 : memref<1x128xf32, #tpu.memory_space<vmem>> -> memref<128xf32, #tpu.memory_space<vmem>>
    %dma_start3A_482 = arith.constant 0 : i32
    %dma_start3A_483 = tpu.memref_slice %arg7[%dma_start3A_477, %dma_start3A_482] : memref<4x128xi32, #tpu.memory_space<vmem>> -> memref<1x128xi32, #tpu.memory_space<vmem>>
    %dma_start3A_484 = tpu.memref_squeeze %dma_start3A_483 : memref<1x128xi32, #tpu.memory_space<vmem>> -> memref<128xi32, #tpu.memory_space<vmem>>
    %dma_start3A_485 = arith.constant 0 : i32
    %dma_start3A_486 = tpu.memref_slice %arg2[%dma_start3A_485] : memref<2097152xf32, #tpu.memory_space<hbm>> -> memref<2097152xf32, #tpu.memory_space<hbm>>
    tpu.enqueue_indirect_dma source(%dma_start3A_486 : memref<2097152xf32, #tpu.memory_space<hbm>>) target(%dma_start3A_481 : memref<128xf32, #tpu.memory_space<vmem>>) offsets(%dma_start3A_484 : memref<128xi32, #tpu.memory_space<vmem>>) semaphore(%arg15 : memref<!tpu.dma_semaphore, #tpu.memory_space<semaphore_mem>>)
    %dma_wait3A_487 = arith.constant 0 : i32
    %dma_wait3A_488 = arith.constant 0 : i32
    %dma_wait3A_489 = tpu.memref_slice %arg4[%add3A, %dma_wait3A_487, %dma_wait3A_488] : memref<32x4x128xi32, #tpu.memory_space<hbm>> -> memref<1x4x128xi32, #tpu.memory_space<hbm>>
    %dma_wait3A_490 = tpu.memref_squeeze %dma_wait3A_489 : memref<1x4x128xi32, #tpu.memory_space<hbm>> -> memref<4x128xi32, #tpu.memory_space<hbm>>
    %dma_wait3A_491 = arith.constant 0 : i32
    %dma_wait3A_492 = arith.constant 0 : i32
    %dma_wait3A_493 = tpu.memref_slice %arg4[%add3A, %dma_wait3A_491, %dma_wait3A_492] : memref<32x4x128xi32, #tpu.memory_space<hbm>> -> memref<1x4x128xi32, #tpu.memory_space<hbm>>
    %dma_wait3A_494 = tpu.memref_squeeze %dma_wait3A_493 : memref<1x4x128xi32, #tpu.memory_space<hbm>> -> memref<4x128xi32, #tpu.memory_space<hbm>>
    tpu.wait_dma2 semaphore(%arg14 : memref<!tpu.dma_semaphore, #tpu.memory_space<semaphore_mem>>) src(%dma_wait3A_494 : memref<4x128xi32, #tpu.memory_space<hbm>>) dst(%arg9 : memref<4x128xi32, #tpu.memory_space<vmem>>)
    %dma_wait3A_495 = arith.constant 0 : i32
    %dma_wait3A_496 = arith.constant 0 : i32
    %dma_wait3A_497 = tpu.memref_slice %arg5[%add3A, %dma_wait3A_495, %dma_wait3A_496] : memref<32x4x128xf32, #tpu.memory_space<hbm>> -> memref<1x4x128xf32, #tpu.memory_space<hbm>>
    %dma_wait3A_498 = tpu.memref_squeeze %dma_wait3A_497 : memref<1x4x128xf32, #tpu.memory_space<hbm>> -> memref<4x128xf32, #tpu.memory_space<hbm>>
    %dma_wait3A_499 = arith.constant 0 : i32
    %dma_wait3A_500 = arith.constant 0 : i32
    %dma_wait3A_501 = tpu.memref_slice %arg5[%add3A, %dma_wait3A_499, %dma_wait3A_500] : memref<32x4x128xf32, #tpu.memory_space<hbm>> -> memref<1x4x128xf32, #tpu.memory_space<hbm>>
    %dma_wait3A_502 = tpu.memref_squeeze %dma_wait3A_501 : memref<1x4x128xf32, #tpu.memory_space<hbm>> -> memref<4x128xf32, #tpu.memory_space<hbm>>
    tpu.wait_dma2 semaphore(%arg14 : memref<!tpu.dma_semaphore, #tpu.memory_space<semaphore_mem>>) src(%dma_wait3A_502 : memref<4x128xf32, #tpu.memory_space<hbm>>) dst(%arg10 : memref<4x128xf32, #tpu.memory_space<vmem>>)
    %dma_wait3A_503 = arith.constant 0 : i32
    %dma_wait3A_504 = arith.constant 0 : i32
    %dma_wait3A_505 = arith.constant 0 : i32
    %dma_wait3A_506 = tpu.memref_slice %arg8[%dma_wait3A_504, %dma_wait3A_505] : memref<4x128xf32, #tpu.memory_space<vmem>> -> memref<1x128xf32, #tpu.memory_space<vmem>>
    %dma_wait3A_507 = tpu.memref_squeeze %dma_wait3A_506 : memref<1x128xf32, #tpu.memory_space<vmem>> -> memref<128xf32, #tpu.memory_space<vmem>>
    %dma_wait3A_508 = arith.constant 0 : i32
    %dma_wait3A_509 = tpu.memref_slice %arg7[%dma_wait3A_503, %dma_wait3A_508] : memref<4x128xi32, #tpu.memory_space<vmem>> -> memref<1x128xi32, #tpu.memory_space<vmem>>
    %dma_wait3A_510 = tpu.memref_squeeze %dma_wait3A_509 : memref<1x128xi32, #tpu.memory_space<vmem>> -> memref<128xi32, #tpu.memory_space<vmem>>
    %dma_wait3A_511 = arith.constant 0 : i32
    %dma_wait3A_512 = tpu.memref_slice %arg2[%dma_wait3A_511] : memref<2097152xf32, #tpu.memory_space<hbm>> -> memref<2097152xf32, #tpu.memory_space<hbm>>
    tpu.wait_indirect_dma semaphore(%arg15 : memref<!tpu.dma_semaphore, #tpu.memory_space<semaphore_mem>>) src(%dma_wait3A_512 : memref<2097152xf32, #tpu.memory_space<hbm>>) dst(%dma_wait3A_507 : memref<128xf32, #tpu.memory_space<vmem>>)
    %dma_wait3A_513 = arith.constant 1 : i32
    %dma_wait3A_514 = arith.constant 1 : i32
    %dma_wait3A_515 = arith.constant 0 : i32
    %dma_wait3A_516 = tpu.memref_slice %arg8[%dma_wait3A_514, %dma_wait3A_515] : memref<4x128xf32, #tpu.memory_space<vmem>> -> memref<1x128xf32, #tpu.memory_space<vmem>>
    %dma_wait3A_517 = tpu.memref_squeeze %dma_wait3A_516 : memref<1x128xf32, #tpu.memory_space<vmem>> -> memref<128xf32, #tpu.memory_space<vmem>>
    %dma_wait3A_518 = arith.constant 0 : i32
    %dma_wait3A_519 = tpu.memref_slice %arg7[%dma_wait3A_513, %dma_wait3A_518] : memref<4x128xi32, #tpu.memory_space<vmem>> -> memref<1x128xi32, #tpu.memory_space<vmem>>
    %dma_wait3A_520 = tpu.memref_squeeze %dma_wait3A_519 : memref<1x128xi32, #tpu.memory_space<vmem>> -> memref<128xi32, #tpu.memory_space<vmem>>
    %dma_wait3A_521 = arith.constant 0 : i32
    %dma_wait3A_522 = tpu.memref_slice %arg2[%dma_wait3A_521] : memref<2097152xf32, #tpu.memory_space<hbm>> -> memref<2097152xf32, #tpu.memory_space<hbm>>
    tpu.wait_indirect_dma semaphore(%arg15 : memref<!tpu.dma_semaphore, #tpu.memory_space<semaphore_mem>>) src(%dma_wait3A_522 : memref<2097152xf32, #tpu.memory_space<hbm>>) dst(%dma_wait3A_517 : memref<128xf32, #tpu.memory_space<vmem>>)
    %dma_wait3A_523 = arith.constant 2 : i32
    %dma_wait3A_524 = arith.constant 2 : i32
    %dma_wait3A_525 = arith.constant 0 : i32
    %dma_wait3A_526 = tpu.memref_slice %arg8[%dma_wait3A_524, %dma_wait3A_525] : memref<4x128xf32, #tpu.memory_space<vmem>> -> memref<1x128xf32, #tpu.memory_space<vmem>>
    %dma_wait3A_527 = tpu.memref_squeeze %dma_wait3A_526 : memref<1x128xf32, #tpu.memory_space<vmem>> -> memref<128xf32, #tpu.memory_space<vmem>>
    %dma_wait3A_528 = arith.constant 0 : i32
    %dma_wait3A_529 = tpu.memref_slice %arg7[%dma_wait3A_523, %dma_wait3A_528] : memref<4x128xi32, #tpu.memory_space<vmem>> -> memref<1x128xi32, #tpu.memory_space<vmem>>
    %dma_wait3A_530 = tpu.memref_squeeze %dma_wait3A_529 : memref<1x128xi32, #tpu.memory_space<vmem>> -> memref<128xi32, #tpu.memory_space<vmem>>
    %dma_wait3A_531 = arith.constant 0 : i32
    %dma_wait3A_532 = tpu.memref_slice %arg2[%dma_wait3A_531] : memref<2097152xf32, #tpu.memory_space<hbm>> -> memref<2097152xf32, #tpu.memory_space<hbm>>
    tpu.wait_indirect_dma semaphore(%arg15 : memref<!tpu.dma_semaphore, #tpu.memory_space<semaphore_mem>>) src(%dma_wait3A_532 : memref<2097152xf32, #tpu.memory_space<hbm>>) dst(%dma_wait3A_527 : memref<128xf32, #tpu.memory_space<vmem>>)
    %dma_wait3A_533 = arith.constant 3 : i32
    %dma_wait3A_534 = arith.constant 3 : i32
    %dma_wait3A_535 = arith.constant 0 : i32
    %dma_wait3A_536 = tpu.memref_slice %arg8[%dma_wait3A_534, %dma_wait3A_535] : memref<4x128xf32, #tpu.memory_space<vmem>> -> memref<1x128xf32, #tpu.memory_space<vmem>>
    %dma_wait3A_537 = tpu.memref_squeeze %dma_wait3A_536 : memref<1x128xf32, #tpu.memory_space<vmem>> -> memref<128xf32, #tpu.memory_space<vmem>>
    %dma_wait3A_538 = arith.constant 0 : i32
    %dma_wait3A_539 = tpu.memref_slice %arg7[%dma_wait3A_533, %dma_wait3A_538] : memref<4x128xi32, #tpu.memory_space<vmem>> -> memref<1x128xi32, #tpu.memory_space<vmem>>
    %dma_wait3A_540 = tpu.memref_squeeze %dma_wait3A_539 : memref<1x128xi32, #tpu.memory_space<vmem>> -> memref<128xi32, #tpu.memory_space<vmem>>
    %dma_wait3A_541 = arith.constant 0 : i32
    %dma_wait3A_542 = tpu.memref_slice %arg2[%dma_wait3A_541] : memref<2097152xf32, #tpu.memory_space<hbm>> -> memref<2097152xf32, #tpu.memory_space<hbm>>
    tpu.wait_indirect_dma semaphore(%arg15 : memref<!tpu.dma_semaphore, #tpu.memory_space<semaphore_mem>>) src(%dma_wait3A_542 : memref<2097152xf32, #tpu.memory_space<hbm>>) dst(%dma_wait3A_537 : memref<128xf32, #tpu.memory_space<vmem>>)
    %broadcast_in_dim3A = arith.constant 0.000000e+00 : f32
    %broadcast_in_dim3A_543 = vector.broadcast %broadcast_in_dim3A : f32 to vector<16xf32>
    %get3A_544 = arith.constant 0 : i32
    %get3A_545 = arith.index_cast %get3A_544 : i32 to index
    %get3A_546 = arith.constant 0 : index
    %get3A_547 = tpu.vector_load %arg8[%get3A_545, %get3A_546] {strides = array<i32>} : memref<4x128xf32, #tpu.memory_space<vmem>>, vector<1x16xf32>,
    %get3A_548 = vector.shape_cast %get3A_547 : vector<1x16xf32> to vector<16xf32>
    %get3A_549 = arith.constant 0 : i32
    %get3A_550 = arith.index_cast %get3A_549 : i32 to index
    %get3A_551 = arith.constant 0 : index
    %get3A_552 = tpu.vector_load %arg9[%get3A_550, %get3A_551] {strides = array<i32>} : memref<4x128xi32, #tpu.memory_space<vmem>>, vector<1x16xi32>,
    %get3A_553 = vector.shape_cast %get3A_552 : vector<1x16xi32> to vector<16xi32>
    %convert_element_type3A = arith.sitofp %get3A_553 : vector<16xi32> to vector<16xf32>
    %neg3A = arith.constant 0.000000e+00 : f32
    %neg3A_554 = vector.broadcast %neg3A : f32 to vector<16xf32>
    %neg3A_555 = arith.subf %neg3A_554, %get3A_548 : vector<16xf32>
    %exp3A = math.exp %neg3A_555 : vector<16xf32>
    %add3A_556 = arith.constant 1.000000e+00 : f32
    %add3A_557 = vector.broadcast %add3A_556 : f32 to vector<16xf32>
    %add3A_558 = arith.addf %add3A_557, %exp3A : vector<16xf32>
    %div3A = arith.constant 1.000000e+00 : f32
    %div3A_559 = vector.broadcast %div3A : f32 to vector<16xf32>
    %div3A_560 = arith.divf %div3A_559, %add3A_558 : vector<16xf32>
    %max3A = arith.constant 9.99999974E-5 : f32
    %max3A_561 = vector.broadcast %max3A : f32 to vector<16xf32>
    %max3A_562 = arith.maximumf %div3A_560, %max3A_561 : vector<16xf32>
    %min3A = arith.constant 0.999899983 : f32
    %min3A_563 = vector.broadcast %min3A : f32 to vector<16xf32>
    %min3A_564 = arith.minimumf %max3A_562, %min3A_563 : vector<16xf32>
    %get3A_565 = arith.constant 0 : i32
    %get3A_566 = arith.index_cast %get3A_565 : i32 to index
    %get3A_567 = arith.constant 0 : index
    %get3A_568 = tpu.vector_load %arg10[%get3A_566, %get3A_567] {strides = array<i32>} : memref<4x128xf32, #tpu.memory_space<vmem>>, vector<1x16xf32>,
    %get3A_569 = vector.shape_cast %get3A_568 : vector<1x16xf32> to vector<16xf32>
    %sub3A = arith.subf %min3A_564, %get3A_569 : vector<16xf32>
    %mul3A_570 = arith.mulf %sub3A, %convert_element_type3A : vector<16xf32>
    %mul3A_571 = arith.mulf %mul3A_570, %mul3A_570 : vector<16xf32>
    %add3A_572 = arith.addf %broadcast_in_dim3A_543, %mul3A_571 : vector<16xf32>
    %get3A_573 = arith.constant 0 : i32
    %get3A_574 = arith.index_cast %get3A_573 : i32 to index
    %get3A_575 = arith.constant 16 : index
    %get3A_576 = tpu.vector_load %arg8[%get3A_574, %get3A_575] {strides = array<i32>} : memref<4x128xf32, #tpu.memory_space<vmem>>, vector<1x16xf32>,
    %get3A_577 = vector.shape_cast %get3A_576 : vector<1x16xf32> to vector<16xf32>
    %get3A_578 = arith.constant 0 : i32
    %get3A_579 = arith.index_cast %get3A_578 : i32 to index
    %get3A_580 = arith.constant 16 : index
    %get3A_581 = tpu.vector_load %arg9[%get3A_579, %get3A_580] {strides = array<i32>} : memref<4x128xi32, #tpu.memory_space<vmem>>, vector<1x16xi32>,
    %get3A_582 = vector.shape_cast %get3A_581 : vector<1x16xi32> to vector<16xi32>
    %convert_element_type3A_583 = arith.sitofp %get3A_582 : vector<16xi32> to vector<16xf32>
    %neg3A_584 = arith.constant 0.000000e+00 : f32
    %neg3A_585 = vector.broadcast %neg3A_584 : f32 to vector<16xf32>
    %neg3A_586 = arith.subf %neg3A_585, %get3A_577 : vector<16xf32>
    %exp3A_587 = math.exp %neg3A_586 : vector<16xf32>
    %add3A_588 = arith.constant 1.000000e+00 : f32
    %add3A_589 = vector.broadcast %add3A_588 : f32 to vector<16xf32>
    %add3A_590 = arith.addf %add3A_589, %exp3A_587 : vector<16xf32>
    %div3A_591 = arith.constant 1.000000e+00 : f32
    %div3A_592 = vector.broadcast %div3A_591 : f32 to vector<16xf32>
    %div3A_593 = arith.divf %div3A_592, %add3A_590 : vector<16xf32>
    %max3A_594 = arith.constant 9.99999974E-5 : f32
    %max3A_595 = vector.broadcast %max3A_594 : f32 to vector<16xf32>
    %max3A_596 = arith.maximumf %div3A_593, %max3A_595 : vector<16xf32>
    %min3A_597 = arith.constant 0.999899983 : f32
    %min3A_598 = vector.broadcast %min3A_597 : f32 to vector<16xf32>
    %min3A_599 = arith.minimumf %max3A_596, %min3A_598 : vector<16xf32>
    %get3A_600 = arith.constant 0 : i32
    %get3A_601 = arith.index_cast %get3A_600 : i32 to index
    %get3A_602 = arith.constant 16 : index
    %get3A_603 = tpu.vector_load %arg10[%get3A_601, %get3A_602] {strides = array<i32>} : memref<4x128xf32, #tpu.memory_space<vmem>>, vector<1x16xf32>,
    %get3A_604 = vector.shape_cast %get3A_603 : vector<1x16xf32> to vector<16xf32>
    %sub3A_605 = arith.subf %min3A_599, %get3A_604 : vector<16xf32>
    %mul3A_606 = arith.mulf %sub3A_605, %convert_element_type3A_583 : vector<16xf32>
    %mul3A_607 = arith.mulf %mul3A_606, %mul3A_606 : vector<16xf32>
    %add3A_608 = arith.addf %add3A_572, %mul3A_607 : vector<16xf32>
    %get3A_609 = arith.constant 0 : i32
    %get3A_610 = arith.index_cast %get3A_609 : i32 to index
    %get3A_611 = arith.constant 32 : index
    %get3A_612 = tpu.vector_load %arg8[%get3A_610, %get3A_611] {strides = array<i32>} : memref<4x128xf32, #tpu.memory_space<vmem>>, vector<1x16xf32>,
    %get3A_613 = vector.shape_cast %get3A_612 : vector<1x16xf32> to vector<16xf32>
    %get3A_614 = arith.constant 0 : i32
    %get3A_615 = arith.index_cast %get3A_614 : i32 to index
    %get3A_616 = arith.constant 32 : index
    %get3A_617 = tpu.vector_load %arg9[%get3A_615, %get3A_616] {strides = array<i32>} : memref<4x128xi32, #tpu.memory_space<vmem>>, vector<1x16xi32>,
    %get3A_618 = vector.shape_cast %get3A_617 : vector<1x16xi32> to vector<16xi32>
    %convert_element_type3A_619 = arith.sitofp %get3A_618 : vector<16xi32> to vector<16xf32>
    %neg3A_620 = arith.constant 0.000000e+00 : f32
    %neg3A_621 = vector.broadcast %neg3A_620 : f32 to vector<16xf32>
    %neg3A_622 = arith.subf %neg3A_621, %get3A_613 : vector<16xf32>
    %exp3A_623 = math.exp %neg3A_622 : vector<16xf32>
    %add3A_624 = arith.constant 1.000000e+00 : f32
    %add3A_625 = vector.broadcast %add3A_624 : f32 to vector<16xf32>
    %add3A_626 = arith.addf %add3A_625, %exp3A_623 : vector<16xf32>
    %div3A_627 = arith.constant 1.000000e+00 : f32
    %div3A_628 = vector.broadcast %div3A_627 : f32 to vector<16xf32>
    %div3A_629 = arith.divf %div3A_628, %add3A_626 : vector<16xf32>
    %max3A_630 = arith.constant 9.99999974E-5 : f32
    %max3A_631 = vector.broadcast %max3A_630 : f32 to vector<16xf32>
    %max3A_632 = arith.maximumf %div3A_629, %max3A_631 : vector<16xf32>
    %min3A_633 = arith.constant 0.999899983 : f32
    %min3A_634 = vector.broadcast %min3A_633 : f32 to vector<16xf32>
    %min3A_635 = arith.minimumf %max3A_632, %min3A_634 : vector<16xf32>
    %get3A_636 = arith.constant 0 : i32
    %get3A_637 = arith.index_cast %get3A_636 : i32 to index
    %get3A_638 = arith.constant 32 : index
    %get3A_639 = tpu.vector_load %arg10[%get3A_637, %get3A_638] {strides = array<i32>} : memref<4x128xf32, #tpu.memory_space<vmem>>, vector<1x16xf32>,
    %get3A_640 = vector.shape_cast %get3A_639 : vector<1x16xf32> to vector<16xf32>
    %sub3A_641 = arith.subf %min3A_635, %get3A_640 : vector<16xf32>
    %mul3A_642 = arith.mulf %sub3A_641, %convert_element_type3A_619 : vector<16xf32>
    %mul3A_643 = arith.mulf %mul3A_642, %mul3A_642 : vector<16xf32>
    %add3A_644 = arith.addf %add3A_608, %mul3A_643 : vector<16xf32>
    %get3A_645 = arith.constant 0 : i32
    %get3A_646 = arith.index_cast %get3A_645 : i32 to index
    %get3A_647 = arith.constant 48 : index
    %get3A_648 = tpu.vector_load %arg8[%get3A_646, %get3A_647] {strides = array<i32>} : memref<4x128xf32, #tpu.memory_space<vmem>>, vector<1x16xf32>,
    %get3A_649 = vector.shape_cast %get3A_648 : vector<1x16xf32> to vector<16xf32>
    %get3A_650 = arith.constant 0 : i32
    %get3A_651 = arith.index_cast %get3A_650 : i32 to index
    %get3A_652 = arith.constant 48 : index
    %get3A_653 = tpu.vector_load %arg9[%get3A_651, %get3A_652] {strides = array<i32>} : memref<4x128xi32, #tpu.memory_space<vmem>>, vector<1x16xi32>,
    %get3A_654 = vector.shape_cast %get3A_653 : vector<1x16xi32> to vector<16xi32>
    %convert_element_type3A_655 = arith.sitofp %get3A_654 : vector<16xi32> to vector<16xf32>
    %neg3A_656 = arith.constant 0.000000e+00 : f32
    %neg3A_657 = vector.broadcast %neg3A_656 : f32 to vector<16xf32>
    %neg3A_658 = arith.subf %neg3A_657, %get3A_649 : vector<16xf32>
    %exp3A_659 = math.exp %neg3A_658 : vector<16xf32>
    %add3A_660 = arith.constant 1.000000e+00 : f32
    %add3A_661 = vector.broadcast %add3A_660 : f32 to vector<16xf32>
    %add3A_662 = arith.addf %add3A_661, %exp3A_659 : vector<16xf32>
    %div3A_663 = arith.constant 1.000000e+00 : f32
    %div3A_664 = vector.broadcast %div3A_663 : f32 to vector<16xf32>
    %div3A_665 = arith.divf %div3A_664, %add3A_662 : vector<16xf32>
    %max3A_666 = arith.constant 9.99999974E-5 : f32
    %max3A_667 = vector.broadcast %max3A_666 : f32 to vector<16xf32>
    %max3A_668 = arith.maximumf %div3A_665, %max3A_667 : vector<16xf32>
    %min3A_669 = arith.constant 0.999899983 : f32
    %min3A_670 = vector.broadcast %min3A_669 : f32 to vector<16xf32>
    %min3A_671 = arith.minimumf %max3A_668, %min3A_670 : vector<16xf32>
    %get3A_672 = arith.constant 0 : i32
    %get3A_673 = arith.index_cast %get3A_672 : i32 to index
    %get3A_674 = arith.constant 48 : index
    %get3A_675 = tpu.vector_load %arg10[%get3A_673, %get3A_674] {strides = array<i32>} : memref<4x128xf32, #tpu.memory_space<vmem>>, vector<1x16xf32>,
    %get3A_676 = vector.shape_cast %get3A_675 : vector<1x16xf32> to vector<16xf32>
    %sub3A_677 = arith.subf %min3A_671, %get3A_676 : vector<16xf32>
    %mul3A_678 = arith.mulf %sub3A_677, %convert_element_type3A_655 : vector<16xf32>
    %mul3A_679 = arith.mulf %mul3A_678, %mul3A_678 : vector<16xf32>
    %add3A_680 = arith.addf %add3A_644, %mul3A_679 : vector<16xf32>
    %get3A_681 = arith.constant 0 : i32
    %get3A_682 = arith.index_cast %get3A_681 : i32 to index
    %get3A_683 = arith.constant 64 : index
    %get3A_684 = tpu.vector_load %arg8[%get3A_682, %get3A_683] {strides = array<i32>} : memref<4x128xf32, #tpu.memory_space<vmem>>, vector<1x16xf32>,
    %get3A_685 = vector.shape_cast %get3A_684 : vector<1x16xf32> to vector<16xf32>
    %get3A_686 = arith.constant 0 : i32
    %get3A_687 = arith.index_cast %get3A_686 : i32 to index
    %get3A_688 = arith.constant 64 : index
    %get3A_689 = tpu.vector_load %arg9[%get3A_687, %get3A_688] {strides = array<i32>} : memref<4x128xi32, #tpu.memory_space<vmem>>, vector<1x16xi32>,
    %get3A_690 = vector.shape_cast %get3A_689 : vector<1x16xi32> to vector<16xi32>
    %convert_element_type3A_691 = arith.sitofp %get3A_690 : vector<16xi32> to vector<16xf32>
    %neg3A_692 = arith.constant 0.000000e+00 : f32
    %neg3A_693 = vector.broadcast %neg3A_692 : f32 to vector<16xf32>
    %neg3A_694 = arith.subf %neg3A_693, %get3A_685 : vector<16xf32>
    %exp3A_695 = math.exp %neg3A_694 : vector<16xf32>
    %add3A_696 = arith.constant 1.000000e+00 : f32
    %add3A_697 = vector.broadcast %add3A_696 : f32 to vector<16xf32>
    %add3A_698 = arith.addf %add3A_697, %exp3A_695 : vector<16xf32>
    %div3A_699 = arith.constant 1.000000e+00 : f32
    %div3A_700 = vector.broadcast %div3A_699 : f32 to vector<16xf32>
    %div3A_701 = arith.divf %div3A_700, %add3A_698 : vector<16xf32>
    %max3A_702 = arith.constant 9.99999974E-5 : f32
    %max3A_703 = vector.broadcast %max3A_702 : f32 to vector<16xf32>
    %max3A_704 = arith.maximumf %div3A_701, %max3A_703 : vector<16xf32>
    %min3A_705 = arith.constant 0.999899983 : f32
    %min3A_706 = vector.broadcast %min3A_705 : f32 to vector<16xf32>
    %min3A_707 = arith.minimumf %max3A_704, %min3A_706 : vector<16xf32>
    %get3A_708 = arith.constant 0 : i32
    %get3A_709 = arith.index_cast %get3A_708 : i32 to index
    %get3A_710 = arith.constant 64 : index
    %get3A_711 = tpu.vector_load %arg10[%get3A_709, %get3A_710] {strides = array<i32>} : memref<4x128xf32, #tpu.memory_space<vmem>>, vector<1x16xf32>,
    %get3A_712 = vector.shape_cast %get3A_711 : vector<1x16xf32> to vector<16xf32>
    %sub3A_713 = arith.subf %min3A_707, %get3A_712 : vector<16xf32>
    %mul3A_714 = arith.mulf %sub3A_713, %convert_element_type3A_691 : vector<16xf32>
    %mul3A_715 = arith.mulf %mul3A_714, %mul3A_714 : vector<16xf32>
    %add3A_716 = arith.addf %add3A_680, %mul3A_715 : vector<16xf32>
    %get3A_717 = arith.constant 0 : i32
    %get3A_718 = arith.index_cast %get3A_717 : i32 to index
    %get3A_719 = arith.constant 80 : index
    %get3A_720 = tpu.vector_load %arg8[%get3A_718, %get3A_719] {strides = array<i32>} : memref<4x128xf32, #tpu.memory_space<vmem>>, vector<1x16xf32>,
    %get3A_721 = vector.shape_cast %get3A_720 : vector<1x16xf32> to vector<16xf32>
    %get3A_722 = arith.constant 0 : i32
    %get3A_723 = arith.index_cast %get3A_722 : i32 to index
    %get3A_724 = arith.constant 80 : index
    %get3A_725 = tpu.vector_load %arg9[%get3A_723, %get3A_724] {strides = array<i32>} : memref<4x128xi32, #tpu.memory_space<vmem>>, vector<1x16xi32>,
    %get3A_726 = vector.shape_cast %get3A_725 : vector<1x16xi32> to vector<16xi32>
    %convert_element_type3A_727 = arith.sitofp %get3A_726 : vector<16xi32> to vector<16xf32>
    %neg3A_728 = arith.constant 0.000000e+00 : f32
    %neg3A_729 = vector.broadcast %neg3A_728 : f32 to vector<16xf32>
    %neg3A_730 = arith.subf %neg3A_729, %get3A_721 : vector<16xf32>
    %exp3A_731 = math.exp %neg3A_730 : vector<16xf32>
    %add3A_732 = arith.constant 1.000000e+00 : f32
    %add3A_733 = vector.broadcast %add3A_732 : f32 to vector<16xf32>
    %add3A_734 = arith.addf %add3A_733, %exp3A_731 : vector<16xf32>
    %div3A_735 = arith.constant 1.000000e+00 : f32
    %div3A_736 = vector.broadcast %div3A_735 : f32 to vector<16xf32>
    %div3A_737 = arith.divf %div3A_736, %add3A_734 : vector<16xf32>
    %max3A_738 = arith.constant 9.99999974E-5 : f32
    %max3A_739 = vector.broadcast %max3A_738 : f32 to vector<16xf32>
    %max3A_740 = arith.maximumf %div3A_737, %max3A_739 : vector<16xf32>
    %min3A_741 = arith.constant 0.999899983 : f32
    %min3A_742 = vector.broadcast %min3A_741 : f32 to vector<16xf32>
    %min3A_743 = arith.minimumf %max3A_740, %min3A_742 : vector<16xf32>
    %get3A_744 = arith.constant 0 : i32
    %get3A_745 = arith.index_cast %get3A_744 : i32 to index
    %get3A_746 = arith.constant 80 : index
    %get3A_747 = tpu.vector_load %arg10[%get3A_745, %get3A_746] {strides = array<i32>} : memref<4x128xf32, #tpu.memory_space<vmem>>, vector<1x16xf32>,
    %get3A_748 = vector.shape_cast %get3A_747 : vector<1x16xf32> to vector<16xf32>
    %sub3A_749 = arith.subf %min3A_743, %get3A_748 : vector<16xf32>
    %mul3A_750 = arith.mulf %sub3A_749, %convert_element_type3A_727 : vector<16xf32>
    %mul3A_751 = arith.mulf %mul3A_750, %mul3A_750 : vector<16xf32>
    %add3A_752 = arith.addf %add3A_716, %mul3A_751 : vector<16xf32>
    %get3A_753 = arith.constant 0 : i32
    %get3A_754 = arith.index_cast %get3A_753 : i32 to index
    %get3A_755 = arith.constant 96 : index
    %get3A_756 = tpu.vector_load %arg8[%get3A_754, %get3A_755] {strides = array<i32>} : memref<4x128xf32, #tpu.memory_space<vmem>>, vector<1x16xf32>,
    %get3A_757 = vector.shape_cast %get3A_756 : vector<1x16xf32> to vector<16xf32>
    %get3A_758 = arith.constant 0 : i32
    %get3A_759 = arith.index_cast %get3A_758 : i32 to index
    %get3A_760 = arith.constant 96 : index
    %get3A_761 = tpu.vector_load %arg9[%get3A_759, %get3A_760] {strides = array<i32>} : memref<4x128xi32, #tpu.memory_space<vmem>>, vector<1x16xi32>,
    %get3A_762 = vector.shape_cast %get3A_761 : vector<1x16xi32> to vector<16xi32>
    %convert_element_type3A_763 = arith.sitofp %get3A_762 : vector<16xi32> to vector<16xf32>
    %neg3A_764 = arith.constant 0.000000e+00 : f32
    %neg3A_765 = vector.broadcast %neg3A_764 : f32 to vector<16xf32>
    %neg3A_766 = arith.subf %neg3A_765, %get3A_757 : vector<16xf32>
    %exp3A_767 = math.exp %neg3A_766 : vector<16xf32>
    %add3A_768 = arith.constant 1.000000e+00 : f32
    %add3A_769 = vector.broadcast %add3A_768 : f32 to vector<16xf32>
    %add3A_770 = arith.addf %add3A_769, %exp3A_767 : vector<16xf32>
    %div3A_771 = arith.constant 1.000000e+00 : f32
    %div3A_772 = vector.broadcast %div3A_771 : f32 to vector<16xf32>
    %div3A_773 = arith.divf %div3A_772, %add3A_770 : vector<16xf32>
    %max3A_774 = arith.constant 9.99999974E-5 : f32
    %max3A_775 = vector.broadcast %max3A_774 : f32 to vector<16xf32>
    %max3A_776 = arith.maximumf %div3A_773, %max3A_775 : vector<16xf32>
    %min3A_777 = arith.constant 0.999899983 : f32
    %min3A_778 = vector.broadcast %min3A_777 : f32 to vector<16xf32>
    %min3A_779 = arith.minimumf %max3A_776, %min3A_778 : vector<16xf32>
    %get3A_780 = arith.constant 0 : i32
    %get3A_781 = arith.index_cast %get3A_780 : i32 to index
    %get3A_782 = arith.constant 96 : index
    %get3A_783 = tpu.vector_load %arg10[%get3A_781, %get3A_782] {strides = array<i32>} : memref<4x128xf32, #tpu.memory_space<vmem>>, vector<1x16xf32>,
    %get3A_784 = vector.shape_cast %get3A_783 : vector<1x16xf32> to vector<16xf32>
    %sub3A_785 = arith.subf %min3A_779, %get3A_784 : vector<16xf32>
    %mul3A_786 = arith.mulf %sub3A_785, %convert_element_type3A_763 : vector<16xf32>
    %mul3A_787 = arith.mulf %mul3A_786, %mul3A_786 : vector<16xf32>
    %add3A_788 = arith.addf %add3A_752, %mul3A_787 : vector<16xf32>
    %get3A_789 = arith.constant 0 : i32
    %get3A_790 = arith.index_cast %get3A_789 : i32 to index
    %get3A_791 = arith.constant 112 : index
    %get3A_792 = tpu.vector_load %arg8[%get3A_790, %get3A_791] {strides = array<i32>} : memref<4x128xf32, #tpu.memory_space<vmem>>, vector<1x16xf32>,
    %get3A_793 = vector.shape_cast %get3A_792 : vector<1x16xf32> to vector<16xf32>
    %get3A_794 = arith.constant 0 : i32
    %get3A_795 = arith.index_cast %get3A_794 : i32 to index
    %get3A_796 = arith.constant 112 : index
    %get3A_797 = tpu.vector_load %arg9[%get3A_795, %get3A_796] {strides = array<i32>} : memref<4x128xi32, #tpu.memory_space<vmem>>, vector<1x16xi32>,
    %get3A_798 = vector.shape_cast %get3A_797 : vector<1x16xi32> to vector<16xi32>
    %convert_element_type3A_799 = arith.sitofp %get3A_798 : vector<16xi32> to vector<16xf32>
    %neg3A_800 = arith.constant 0.000000e+00 : f32
    %neg3A_801 = vector.broadcast %neg3A_800 : f32 to vector<16xf32>
    %neg3A_802 = arith.subf %neg3A_801, %get3A_793 : vector<16xf32>
    %exp3A_803 = math.exp %neg3A_802 : vector<16xf32>
    %add3A_804 = arith.constant 1.000000e+00 : f32
    %add3A_805 = vector.broadcast %add3A_804 : f32 to vector<16xf32>
    %add3A_806 = arith.addf %add3A_805, %exp3A_803 : vector<16xf32>
    %div3A_807 = arith.constant 1.000000e+00 : f32
    %div3A_808 = vector.broadcast %div3A_807 : f32 to vector<16xf32>
    %div3A_809 = arith.divf %div3A_808, %add3A_806 : vector<16xf32>
    %max3A_810 = arith.constant 9.99999974E-5 : f32
    %max3A_811 = vector.broadcast %max3A_810 : f32 to vector<16xf32>
    %max3A_812 = arith.maximumf %div3A_809, %max3A_811 : vector<16xf32>
    %min3A_813 = arith.constant 0.999899983 : f32
    %min3A_814 = vector.broadcast %min3A_813 : f32 to vector<16xf32>
    %min3A_815 = arith.minimumf %max3A_812, %min3A_814 : vector<16xf32>
    %get3A_816 = arith.constant 0 : i32
    %get3A_817 = arith.index_cast %get3A_816 : i32 to index
    %get3A_818 = arith.constant 112 : index
    %get3A_819 = tpu.vector_load %arg10[%get3A_817, %get3A_818] {strides = array<i32>} : memref<4x128xf32, #tpu.memory_space<vmem>>, vector<1x16xf32>,
    %get3A_820 = vector.shape_cast %get3A_819 : vector<1x16xf32> to vector<16xf32>
    %sub3A_821 = arith.subf %min3A_815, %get3A_820 : vector<16xf32>
    %mul3A_822 = arith.mulf %sub3A_821, %convert_element_type3A_799 : vector<16xf32>
    %mul3A_823 = arith.mulf %mul3A_822, %mul3A_822 : vector<16xf32>
    %add3A_824 = arith.addf %add3A_788, %mul3A_823 : vector<16xf32>
    %get3A_825 = arith.constant 1 : i32
    %get3A_826 = arith.index_cast %get3A_825 : i32 to index
    %get3A_827 = arith.constant 0 : index
    %get3A_828 = tpu.vector_load %arg8[%get3A_826, %get3A_827] {strides = array<i32>} : memref<4x128xf32, #tpu.memory_space<vmem>>, vector<1x16xf32>,
    %get3A_829 = vector.shape_cast %get3A_828 : vector<1x16xf32> to vector<16xf32>
    %get3A_830 = arith.constant 1 : i32
    %get3A_831 = arith.index_cast %get3A_830 : i32 to index
    %get3A_832 = arith.constant 0 : index
    %get3A_833 = tpu.vector_load %arg9[%get3A_831, %get3A_832] {strides = array<i32>} : memref<4x128xi32, #tpu.memory_space<vmem>>, vector<1x16xi32>,
    %get3A_834 = vector.shape_cast %get3A_833 : vector<1x16xi32> to vector<16xi32>
    %convert_element_type3A_835 = arith.sitofp %get3A_834 : vector<16xi32> to vector<16xf32>
    %neg3A_836 = arith.constant 0.000000e+00 : f32
    %neg3A_837 = vector.broadcast %neg3A_836 : f32 to vector<16xf32>
    %neg3A_838 = arith.subf %neg3A_837, %get3A_829 : vector<16xf32>
    %exp3A_839 = math.exp %neg3A_838 : vector<16xf32>
    %add3A_840 = arith.constant 1.000000e+00 : f32
    %add3A_841 = vector.broadcast %add3A_840 : f32 to vector<16xf32>
    %add3A_842 = arith.addf %add3A_841, %exp3A_839 : vector<16xf32>
    %div3A_843 = arith.constant 1.000000e+00 : f32
    %div3A_844 = vector.broadcast %div3A_843 : f32 to vector<16xf32>
    %div3A_845 = arith.divf %div3A_844, %add3A_842 : vector<16xf32>
    %max3A_846 = arith.constant 9.99999974E-5 : f32
    %max3A_847 = vector.broadcast %max3A_846 : f32 to vector<16xf32>
    %max3A_848 = arith.maximumf %div3A_845, %max3A_847 : vector<16xf32>
    %min3A_849 = arith.constant 0.999899983 : f32
    %min3A_850 = vector.broadcast %min3A_849 : f32 to vector<16xf32>
    %min3A_851 = arith.minimumf %max3A_848, %min3A_850 : vector<16xf32>
    %get3A_852 = arith.constant 1 : i32
    %get3A_853 = arith.index_cast %get3A_852 : i32 to index
    %get3A_854 = arith.constant 0 : index
    %get3A_855 = tpu.vector_load %arg10[%get3A_853, %get3A_854] {strides = array<i32>} : memref<4x128xf32, #tpu.memory_space<vmem>>, vector<1x16xf32>,
    %get3A_856 = vector.shape_cast %get3A_855 : vector<1x16xf32> to vector<16xf32>
    %sub3A_857 = arith.subf %min3A_851, %get3A_856 : vector<16xf32>
    %mul3A_858 = arith.mulf %sub3A_857, %convert_element_type3A_835 : vector<16xf32>
    %mul3A_859 = arith.mulf %mul3A_858, %mul3A_858 : vector<16xf32>
    %add3A_860 = arith.addf %add3A_824, %mul3A_859 : vector<16xf32>
    %get3A_861 = arith.constant 1 : i32
    %get3A_862 = arith.index_cast %get3A_861 : i32 to index
    %get3A_863 = arith.constant 16 : index
    %get3A_864 = tpu.vector_load %arg8[%get3A_862, %get3A_863] {strides = array<i32>} : memref<4x128xf32, #tpu.memory_space<vmem>>, vector<1x16xf32>,
    %get3A_865 = vector.shape_cast %get3A_864 : vector<1x16xf32> to vector<16xf32>
    %get3A_866 = arith.constant 1 : i32
    %get3A_867 = arith.index_cast %get3A_866 : i32 to index
    %get3A_868 = arith.constant 16 : index
    %get3A_869 = tpu.vector_load %arg9[%get3A_867, %get3A_868] {strides = array<i32>} : memref<4x128xi32, #tpu.memory_space<vmem>>, vector<1x16xi32>,
    %get3A_870 = vector.shape_cast %get3A_869 : vector<1x16xi32> to vector<16xi32>
    %convert_element_type3A_871 = arith.sitofp %get3A_870 : vector<16xi32> to vector<16xf32>
    %neg3A_872 = arith.constant 0.000000e+00 : f32
    %neg3A_873 = vector.broadcast %neg3A_872 : f32 to vector<16xf32>
    %neg3A_874 = arith.subf %neg3A_873, %get3A_865 : vector<16xf32>
    %exp3A_875 = math.exp %neg3A_874 : vector<16xf32>
    %add3A_876 = arith.constant 1.000000e+00 : f32
    %add3A_877 = vector.broadcast %add3A_876 : f32 to vector<16xf32>
    %add3A_878 = arith.addf %add3A_877, %exp3A_875 : vector<16xf32>
    %div3A_879 = arith.constant 1.000000e+00 : f32
    %div3A_880 = vector.broadcast %div3A_879 : f32 to vector<16xf32>
    %div3A_881 = arith.divf %div3A_880, %add3A_878 : vector<16xf32>
    %max3A_882 = arith.constant 9.99999974E-5 : f32
    %max3A_883 = vector.broadcast %max3A_882 : f32 to vector<16xf32>
    %max3A_884 = arith.maximumf %div3A_881, %max3A_883 : vector<16xf32>
    %min3A_885 = arith.constant 0.999899983 : f32
    %min3A_886 = vector.broadcast %min3A_885 : f32 to vector<16xf32>
    %min3A_887 = arith.minimumf %max3A_884, %min3A_886 : vector<16xf32>
    %get3A_888 = arith.constant 1 : i32
    %get3A_889 = arith.index_cast %get3A_888 : i32 to index
    %get3A_890 = arith.constant 16 : index
    %get3A_891 = tpu.vector_load %arg10[%get3A_889, %get3A_890] {strides = array<i32>} : memref<4x128xf32, #tpu.memory_space<vmem>>, vector<1x16xf32>,
    %get3A_892 = vector.shape_cast %get3A_891 : vector<1x16xf32> to vector<16xf32>
    %sub3A_893 = arith.subf %min3A_887, %get3A_892 : vector<16xf32>
    %mul3A_894 = arith.mulf %sub3A_893, %convert_element_type3A_871 : vector<16xf32>
    %mul3A_895 = arith.mulf %mul3A_894, %mul3A_894 : vector<16xf32>
    %add3A_896 = arith.addf %add3A_860, %mul3A_895 : vector<16xf32>
    %get3A_897 = arith.constant 1 : i32
    %get3A_898 = arith.index_cast %get3A_897 : i32 to index
    %get3A_899 = arith.constant 32 : index
    %get3A_900 = tpu.vector_load %arg8[%get3A_898, %get3A_899] {strides = array<i32>} : memref<4x128xf32, #tpu.memory_space<vmem>>, vector<1x16xf32>,
    %get3A_901 = vector.shape_cast %get3A_900 : vector<1x16xf32> to vector<16xf32>
    %get3A_902 = arith.constant 1 : i32
    %get3A_903 = arith.index_cast %get3A_902 : i32 to index
    %get3A_904 = arith.constant 32 : index
    %get3A_905 = tpu.vector_load %arg9[%get3A_903, %get3A_904] {strides = array<i32>} : memref<4x128xi32, #tpu.memory_space<vmem>>, vector<1x16xi32>,
    %get3A_906 = vector.shape_cast %get3A_905 : vector<1x16xi32> to vector<16xi32>
    %convert_element_type3A_907 = arith.sitofp %get3A_906 : vector<16xi32> to vector<16xf32>
    %neg3A_908 = arith.constant 0.000000e+00 : f32
    %neg3A_909 = vector.broadcast %neg3A_908 : f32 to vector<16xf32>
    %neg3A_910 = arith.subf %neg3A_909, %get3A_901 : vector<16xf32>
    %exp3A_911 = math.exp %neg3A_910 : vector<16xf32>
    %add3A_912 = arith.constant 1.000000e+00 : f32
    %add3A_913 = vector.broadcast %add3A_912 : f32 to vector<16xf32>
    %add3A_914 = arith.addf %add3A_913, %exp3A_911 : vector<16xf32>
    %div3A_915 = arith.constant 1.000000e+00 : f32
    %div3A_916 = vector.broadcast %div3A_915 : f32 to vector<16xf32>
    %div3A_917 = arith.divf %div3A_916, %add3A_914 : vector<16xf32>
    %max3A_918 = arith.constant 9.99999974E-5 : f32
    %max3A_919 = vector.broadcast %max3A_918 : f32 to vector<16xf32>
    %max3A_920 = arith.maximumf %div3A_917, %max3A_919 : vector<16xf32>
    %min3A_921 = arith.constant 0.999899983 : f32
    %min3A_922 = vector.broadcast %min3A_921 : f32 to vector<16xf32>
    %min3A_923 = arith.minimumf %max3A_920, %min3A_922 : vector<16xf32>
    %get3A_924 = arith.constant 1 : i32
    %get3A_925 = arith.index_cast %get3A_924 : i32 to index
    %get3A_926 = arith.constant 32 : index
    %get3A_927 = tpu.vector_load %arg10[%get3A_925, %get3A_926] {strides = array<i32>} : memref<4x128xf32, #tpu.memory_space<vmem>>, vector<1x16xf32>,
    %get3A_928 = vector.shape_cast %get3A_927 : vector<1x16xf32> to vector<16xf32>
    %sub3A_929 = arith.subf %min3A_923, %get3A_928 : vector<16xf32>
    %mul3A_930 = arith.mulf %sub3A_929, %convert_element_type3A_907 : vector<16xf32>
    %mul3A_931 = arith.mulf %mul3A_930, %mul3A_930 : vector<16xf32>
    %add3A_932 = arith.addf %add3A_896, %mul3A_931 : vector<16xf32>
    %get3A_933 = arith.constant 1 : i32
    %get3A_934 = arith.index_cast %get3A_933 : i32 to index
    %get3A_935 = arith.constant 48 : index
    %get3A_936 = tpu.vector_load %arg8[%get3A_934, %get3A_935] {strides = array<i32>} : memref<4x128xf32, #tpu.memory_space<vmem>>, vector<1x16xf32>,
    %get3A_937 = vector.shape_cast %get3A_936 : vector<1x16xf32> to vector<16xf32>
    %get3A_938 = arith.constant 1 : i32
    %get3A_939 = arith.index_cast %get3A_938 : i32 to index
    %get3A_940 = arith.constant 48 : index
    %get3A_941 = tpu.vector_load %arg9[%get3A_939, %get3A_940] {strides = array<i32>} : memref<4x128xi32, #tpu.memory_space<vmem>>, vector<1x16xi32>,
    %get3A_942 = vector.shape_cast %get3A_941 : vector<1x16xi32> to vector<16xi32>
    %convert_element_type3A_943 = arith.sitofp %get3A_942 : vector<16xi32> to vector<16xf32>
    %neg3A_944 = arith.constant 0.000000e+00 : f32
    %neg3A_945 = vector.broadcast %neg3A_944 : f32 to vector<16xf32>
    %neg3A_946 = arith.subf %neg3A_945, %get3A_937 : vector<16xf32>
    %exp3A_947 = math.exp %neg3A_946 : vector<16xf32>
    %add3A_948 = arith.constant 1.000000e+00 : f32
    %add3A_949 = vector.broadcast %add3A_948 : f32 to vector<16xf32>
    %add3A_950 = arith.addf %add3A_949, %exp3A_947 : vector<16xf32>
    %div3A_951 = arith.constant 1.000000e+00 : f32
    %div3A_952 = vector.broadcast %div3A_951 : f32 to vector<16xf32>
    %div3A_953 = arith.divf %div3A_952, %add3A_950 : vector<16xf32>
    %max3A_954 = arith.constant 9.99999974E-5 : f32
    %max3A_955 = vector.broadcast %max3A_954 : f32 to vector<16xf32>
    %max3A_956 = arith.maximumf %div3A_953, %max3A_955 : vector<16xf32>
    %min3A_957 = arith.constant 0.999899983 : f32
    %min3A_958 = vector.broadcast %min3A_957 : f32 to vector<16xf32>
    %min3A_959 = arith.minimumf %max3A_956, %min3A_958 : vector<16xf32>
    %get3A_960 = arith.constant 1 : i32
    %get3A_961 = arith.index_cast %get3A_960 : i32 to index
    %get3A_962 = arith.constant 48 : index
    %get3A_963 = tpu.vector_load %arg10[%get3A_961, %get3A_962] {strides = array<i32>} : memref<4x128xf32, #tpu.memory_space<vmem>>, vector<1x16xf32>,
    %get3A_964 = vector.shape_cast %get3A_963 : vector<1x16xf32> to vector<16xf32>
    %sub3A_965 = arith.subf %min3A_959, %get3A_964 : vector<16xf32>
    %mul3A_966 = arith.mulf %sub3A_965, %convert_element_type3A_943 : vector<16xf32>
    %mul3A_967 = arith.mulf %mul3A_966, %mul3A_966 : vector<16xf32>
    %add3A_968 = arith.addf %add3A_932, %mul3A_967 : vector<16xf32>
    %get3A_969 = arith.constant 1 : i32
    %get3A_970 = arith.index_cast %get3A_969 : i32 to index
    %get3A_971 = arith.constant 64 : index
    %get3A_972 = tpu.vector_load %arg8[%get3A_970, %get3A_971] {strides = array<i32>} : memref<4x128xf32, #tpu.memory_space<vmem>>, vector<1x16xf32>,
    %get3A_973 = vector.shape_cast %get3A_972 : vector<1x16xf32> to vector<16xf32>
    %get3A_974 = arith.constant 1 : i32
    %get3A_975 = arith.index_cast %get3A_974 : i32 to index
    %get3A_976 = arith.constant 64 : index
    %get3A_977 = tpu.vector_load %arg9[%get3A_975, %get3A_976] {strides = array<i32>} : memref<4x128xi32, #tpu.memory_space<vmem>>, vector<1x16xi32>,
    %get3A_978 = vector.shape_cast %get3A_977 : vector<1x16xi32> to vector<16xi32>
    %convert_element_type3A_979 = arith.sitofp %get3A_978 : vector<16xi32> to vector<16xf32>
    %neg3A_980 = arith.constant 0.000000e+00 : f32
    %neg3A_981 = vector.broadcast %neg3A_980 : f32 to vector<16xf32>
    %neg3A_982 = arith.subf %neg3A_981, %get3A_973 : vector<16xf32>
    %exp3A_983 = math.exp %neg3A_982 : vector<16xf32>
    %add3A_984 = arith.constant 1.000000e+00 : f32
    %add3A_985 = vector.broadcast %add3A_984 : f32 to vector<16xf32>
    %add3A_986 = arith.addf %add3A_985, %exp3A_983 : vector<16xf32>
    %div3A_987 = arith.constant 1.000000e+00 : f32
    %div3A_988 = vector.broadcast %div3A_987 : f32 to vector<16xf32>
    %div3A_989 = arith.divf %div3A_988, %add3A_986 : vector<16xf32>
    %max3A_990 = arith.constant 9.99999974E-5 : f32
    %max3A_991 = vector.broadcast %max3A_990 : f32 to vector<16xf32>
    %max3A_992 = arith.maximumf %div3A_989, %max3A_991 : vector<16xf32>
    %min3A_993 = arith.constant 0.999899983 : f32
    %min3A_994 = vector.broadcast %min3A_993 : f32 to vector<16xf32>
    %min3A_995 = arith.minimumf %max3A_992, %min3A_994 : vector<16xf32>
    %get3A_996 = arith.constant 1 : i32
    %get3A_997 = arith.index_cast %get3A_996 : i32 to index
    %get3A_998 = arith.constant 64 : index
    %get3A_999 = tpu.vector_load %arg10[%get3A_997, %get3A_998] {strides = array<i32>} : memref<4x128xf32, #tpu.memory_space<vmem>>, vector<1x16xf32>,
    %get3A_1000 = vector.shape_cast %get3A_999 : vector<1x16xf32> to vector<16xf32>
    %sub3A_1001 = arith.subf %min3A_995, %get3A_1000 : vector<16xf32>
    %mul3A_1002 = arith.mulf %sub3A_1001, %convert_element_type3A_979 : vector<16xf32>
    %mul3A_1003 = arith.mulf %mul3A_1002, %mul3A_1002 : vector<16xf32>
    %add3A_1004 = arith.addf %add3A_968, %mul3A_1003 : vector<16xf32>
    %get3A_1005 = arith.constant 1 : i32
    %get3A_1006 = arith.index_cast %get3A_1005 : i32 to index
    %get3A_1007 = arith.constant 80 : index
    %get3A_1008 = tpu.vector_load %arg8[%get3A_1006, %get3A_1007] {strides = array<i32>} : memref<4x128xf32, #tpu.memory_space<vmem>>, vector<1x16xf32>,
    %get3A_1009 = vector.shape_cast %get3A_1008 : vector<1x16xf32> to vector<16xf32>
    %get3A_1010 = arith.constant 1 : i32
    %get3A_1011 = arith.index_cast %get3A_1010 : i32 to index
    %get3A_1012 = arith.constant 80 : index
    %get3A_1013 = tpu.vector_load %arg9[%get3A_1011, %get3A_1012] {strides = array<i32>} : memref<4x128xi32, #tpu.memory_space<vmem>>, vector<1x16xi32>,
    %get3A_1014 = vector.shape_cast %get3A_1013 : vector<1x16xi32> to vector<16xi32>
    %convert_element_type3A_1015 = arith.sitofp %get3A_1014 : vector<16xi32> to vector<16xf32>
    %neg3A_1016 = arith.constant 0.000000e+00 : f32
    %neg3A_1017 = vector.broadcast %neg3A_1016 : f32 to vector<16xf32>
    %neg3A_1018 = arith.subf %neg3A_1017, %get3A_1009 : vector<16xf32>
    %exp3A_1019 = math.exp %neg3A_1018 : vector<16xf32>
    %add3A_1020 = arith.constant 1.000000e+00 : f32
    %add3A_1021 = vector.broadcast %add3A_1020 : f32 to vector<16xf32>
    %add3A_1022 = arith.addf %add3A_1021, %exp3A_1019 : vector<16xf32>
    %div3A_1023 = arith.constant 1.000000e+00 : f32
    %div3A_1024 = vector.broadcast %div3A_1023 : f32 to vector<16xf32>
    %div3A_1025 = arith.divf %div3A_1024, %add3A_1022 : vector<16xf32>
    %max3A_1026 = arith.constant 9.99999974E-5 : f32
    %max3A_1027 = vector.broadcast %max3A_1026 : f32 to vector<16xf32>
    %max3A_1028 = arith.maximumf %div3A_1025, %max3A_1027 : vector<16xf32>
    %min3A_1029 = arith.constant 0.999899983 : f32
    %min3A_1030 = vector.broadcast %min3A_1029 : f32 to vector<16xf32>
    %min3A_1031 = arith.minimumf %max3A_1028, %min3A_1030 : vector<16xf32>
    %get3A_1032 = arith.constant 1 : i32
    %get3A_1033 = arith.index_cast %get3A_1032 : i32 to index
    %get3A_1034 = arith.constant 80 : index
    %get3A_1035 = tpu.vector_load %arg10[%get3A_1033, %get3A_1034] {strides = array<i32>} : memref<4x128xf32, #tpu.memory_space<vmem>>, vector<1x16xf32>,
    %get3A_1036 = vector.shape_cast %get3A_1035 : vector<1x16xf32> to vector<16xf32>
    %sub3A_1037 = arith.subf %min3A_1031, %get3A_1036 : vector<16xf32>
    %mul3A_1038 = arith.mulf %sub3A_1037, %convert_element_type3A_1015 : vector<16xf32>
    %mul3A_1039 = arith.mulf %mul3A_1038, %mul3A_1038 : vector<16xf32>
    %add3A_1040 = arith.addf %add3A_1004, %mul3A_1039 : vector<16xf32>
    %get3A_1041 = arith.constant 1 : i32
    %get3A_1042 = arith.index_cast %get3A_1041 : i32 to index
    %get3A_1043 = arith.constant 96 : index
    %get3A_1044 = tpu.vector_load %arg8[%get3A_1042, %get3A_1043] {strides = array<i32>} : memref<4x128xf32, #tpu.memory_space<vmem>>, vector<1x16xf32>,
    %get3A_1045 = vector.shape_cast %get3A_1044 : vector<1x16xf32> to vector<16xf32>
    %get3A_1046 = arith.constant 1 : i32
    %get3A_1047 = arith.index_cast %get3A_1046 : i32 to index
    %get3A_1048 = arith.constant 96 : index
    %get3A_1049 = tpu.vector_load %arg9[%get3A_1047, %get3A_1048] {strides = array<i32>} : memref<4x128xi32, #tpu.memory_space<vmem>>, vector<1x16xi32>,
    %get3A_1050 = vector.shape_cast %get3A_1049 : vector<1x16xi32> to vector<16xi32>
    %convert_element_type3A_1051 = arith.sitofp %get3A_1050 : vector<16xi32> to vector<16xf32>
    %neg3A_1052 = arith.constant 0.000000e+00 : f32
    %neg3A_1053 = vector.broadcast %neg3A_1052 : f32 to vector<16xf32>
    %neg3A_1054 = arith.subf %neg3A_1053, %get3A_1045 : vector<16xf32>
    %exp3A_1055 = math.exp %neg3A_1054 : vector<16xf32>
    %add3A_1056 = arith.constant 1.000000e+00 : f32
    %add3A_1057 = vector.broadcast %add3A_1056 : f32 to vector<16xf32>
    %add3A_1058 = arith.addf %add3A_1057, %exp3A_1055 : vector<16xf32>
    %div3A_1059 = arith.constant 1.000000e+00 : f32
    %div3A_1060 = vector.broadcast %div3A_1059 : f32 to vector<16xf32>
    %div3A_1061 = arith.divf %div3A_1060, %add3A_1058 : vector<16xf32>
    %max3A_1062 = arith.constant 9.99999974E-5 : f32
    %max3A_1063 = vector.broadcast %max3A_1062 : f32 to vector<16xf32>
    %max3A_1064 = arith.maximumf %div3A_1061, %max3A_1063 : vector<16xf32>
    %min3A_1065 = arith.constant 0.999899983 : f32
    %min3A_1066 = vector.broadcast %min3A_1065 : f32 to vector<16xf32>
    %min3A_1067 = arith.minimumf %max3A_1064, %min3A_1066 : vector<16xf32>
    %get3A_1068 = arith.constant 1 : i32
    %get3A_1069 = arith.index_cast %get3A_1068 : i32 to index
    %get3A_1070 = arith.constant 96 : index
    %get3A_1071 = tpu.vector_load %arg10[%get3A_1069, %get3A_1070] {strides = array<i32>} : memref<4x128xf32, #tpu.memory_space<vmem>>, vector<1x16xf32>,
    %get3A_1072 = vector.shape_cast %get3A_1071 : vector<1x16xf32> to vector<16xf32>
    %sub3A_1073 = arith.subf %min3A_1067, %get3A_1072 : vector<16xf32>
    %mul3A_1074 = arith.mulf %sub3A_1073, %convert_element_type3A_1051 : vector<16xf32>
    %mul3A_1075 = arith.mulf %mul3A_1074, %mul3A_1074 : vector<16xf32>
    %add3A_1076 = arith.addf %add3A_1040, %mul3A_1075 : vector<16xf32>
    %get3A_1077 = arith.constant 1 : i32
    %get3A_1078 = arith.index_cast %get3A_1077 : i32 to index
    %get3A_1079 = arith.constant 112 : index
    %get3A_1080 = tpu.vector_load %arg8[%get3A_1078, %get3A_1079] {strides = array<i32>} : memref<4x128xf32, #tpu.memory_space<vmem>>, vector<1x16xf32>,
    %get3A_1081 = vector.shape_cast %get3A_1080 : vector<1x16xf32> to vector<16xf32>
    %get3A_1082 = arith.constant 1 : i32
    %get3A_1083 = arith.index_cast %get3A_1082 : i32 to index
    %get3A_1084 = arith.constant 112 : index
    %get3A_1085 = tpu.vector_load %arg9[%get3A_1083, %get3A_1084] {strides = array<i32>} : memref<4x128xi32, #tpu.memory_space<vmem>>, vector<1x16xi32>,
    %get3A_1086 = vector.shape_cast %get3A_1085 : vector<1x16xi32> to vector<16xi32>
    %convert_element_type3A_1087 = arith.sitofp %get3A_1086 : vector<16xi32> to vector<16xf32>
    %neg3A_1088 = arith.constant 0.000000e+00 : f32
    %neg3A_1089 = vector.broadcast %neg3A_1088 : f32 to vector<16xf32>
    %neg3A_1090 = arith.subf %neg3A_1089, %get3A_1081 : vector<16xf32>
    %exp3A_1091 = math.exp %neg3A_1090 : vector<16xf32>
    %add3A_1092 = arith.constant 1.000000e+00 : f32
    %add3A_1093 = vector.broadcast %add3A_1092 : f32 to vector<16xf32>
    %add3A_1094 = arith.addf %add3A_1093, %exp3A_1091 : vector<16xf32>
    %div3A_1095 = arith.constant 1.000000e+00 : f32
    %div3A_1096 = vector.broadcast %div3A_1095 : f32 to vector<16xf32>
    %div3A_1097 = arith.divf %div3A_1096, %add3A_1094 : vector<16xf32>
    %max3A_1098 = arith.constant 9.99999974E-5 : f32
    %max3A_1099 = vector.broadcast %max3A_1098 : f32 to vector<16xf32>
    %max3A_1100 = arith.maximumf %div3A_1097, %max3A_1099 : vector<16xf32>
    %min3A_1101 = arith.constant 0.999899983 : f32
    %min3A_1102 = vector.broadcast %min3A_1101 : f32 to vector<16xf32>
    %min3A_1103 = arith.minimumf %max3A_1100, %min3A_1102 : vector<16xf32>
    %get3A_1104 = arith.constant 1 : i32
    %get3A_1105 = arith.index_cast %get3A_1104 : i32 to index
    %get3A_1106 = arith.constant 112 : index
    %get3A_1107 = tpu.vector_load %arg10[%get3A_1105, %get3A_1106] {strides = array<i32>} : memref<4x128xf32, #tpu.memory_space<vmem>>, vector<1x16xf32>,
    %get3A_1108 = vector.shape_cast %get3A_1107 : vector<1x16xf32> to vector<16xf32>
    %sub3A_1109 = arith.subf %min3A_1103, %get3A_1108 : vector<16xf32>
    %mul3A_1110 = arith.mulf %sub3A_1109, %convert_element_type3A_1087 : vector<16xf32>
    %mul3A_1111 = arith.mulf %mul3A_1110, %mul3A_1110 : vector<16xf32>
    %add3A_1112 = arith.addf %add3A_1076, %mul3A_1111 : vector<16xf32>
    %get3A_1113 = arith.constant 2 : i32
    %get3A_1114 = arith.index_cast %get3A_1113 : i32 to index
    %get3A_1115 = arith.constant 0 : index
    %get3A_1116 = tpu.vector_load %arg8[%get3A_1114, %get3A_1115] {strides = array<i32>} : memref<4x128xf32, #tpu.memory_space<vmem>>, vector<1x16xf32>,
    %get3A_1117 = vector.shape_cast %get3A_1116 : vector<1x16xf32> to vector<16xf32>
    %get3A_1118 = arith.constant 2 : i32
    %get3A_1119 = arith.index_cast %get3A_1118 : i32 to index
    %get3A_1120 = arith.constant 0 : index
    %get3A_1121 = tpu.vector_load %arg9[%get3A_1119, %get3A_1120] {strides = array<i32>} : memref<4x128xi32, #tpu.memory_space<vmem>>, vector<1x16xi32>,
    %get3A_1122 = vector.shape_cast %get3A_1121 : vector<1x16xi32> to vector<16xi32>
    %convert_element_type3A_1123 = arith.sitofp %get3A_1122 : vector<16xi32> to vector<16xf32>
    %neg3A_1124 = arith.constant 0.000000e+00 : f32
    %neg3A_1125 = vector.broadcast %neg3A_1124 : f32 to vector<16xf32>
    %neg3A_1126 = arith.subf %neg3A_1125, %get3A_1117 : vector<16xf32>
    %exp3A_1127 = math.exp %neg3A_1126 : vector<16xf32>
    %add3A_1128 = arith.constant 1.000000e+00 : f32
    %add3A_1129 = vector.broadcast %add3A_1128 : f32 to vector<16xf32>
    %add3A_1130 = arith.addf %add3A_1129, %exp3A_1127 : vector<16xf32>
    %div3A_1131 = arith.constant 1.000000e+00 : f32
    %div3A_1132 = vector.broadcast %div3A_1131 : f32 to vector<16xf32>
    %div3A_1133 = arith.divf %div3A_1132, %add3A_1130 : vector<16xf32>
    %max3A_1134 = arith.constant 9.99999974E-5 : f32
    %max3A_1135 = vector.broadcast %max3A_1134 : f32 to vector<16xf32>
    %max3A_1136 = arith.maximumf %div3A_1133, %max3A_1135 : vector<16xf32>
    %min3A_1137 = arith.constant 0.999899983 : f32
    %min3A_1138 = vector.broadcast %min3A_1137 : f32 to vector<16xf32>
    %min3A_1139 = arith.minimumf %max3A_1136, %min3A_1138 : vector<16xf32>
    %get3A_1140 = arith.constant 2 : i32
    %get3A_1141 = arith.index_cast %get3A_1140 : i32 to index
    %get3A_1142 = arith.constant 0 : index
    %get3A_1143 = tpu.vector_load %arg10[%get3A_1141, %get3A_1142] {strides = array<i32>} : memref<4x128xf32, #tpu.memory_space<vmem>>, vector<1x16xf32>,
    %get3A_1144 = vector.shape_cast %get3A_1143 : vector<1x16xf32> to vector<16xf32>
    %sub3A_1145 = arith.subf %min3A_1139, %get3A_1144 : vector<16xf32>
    %mul3A_1146 = arith.mulf %sub3A_1145, %convert_element_type3A_1123 : vector<16xf32>
    %mul3A_1147 = arith.mulf %mul3A_1146, %mul3A_1146 : vector<16xf32>
    %add3A_1148 = arith.addf %add3A_1112, %mul3A_1147 : vector<16xf32>
    %get3A_1149 = arith.constant 2 : i32
    %get3A_1150 = arith.index_cast %get3A_1149 : i32 to index
    %get3A_1151 = arith.constant 16 : index
    %get3A_1152 = tpu.vector_load %arg8[%get3A_1150, %get3A_1151] {strides = array<i32>} : memref<4x128xf32, #tpu.memory_space<vmem>>, vector<1x16xf32>,
    %get3A_1153 = vector.shape_cast %get3A_1152 : vector<1x16xf32> to vector<16xf32>
    %get3A_1154 = arith.constant 2 : i32
    %get3A_1155 = arith.index_cast %get3A_1154 : i32 to index
    %get3A_1156 = arith.constant 16 : index
    %get3A_1157 = tpu.vector_load %arg9[%get3A_1155, %get3A_1156] {strides = array<i32>} : memref<4x128xi32, #tpu.memory_space<vmem>>, vector<1x16xi32>,
    %get3A_1158 = vector.shape_cast %get3A_1157 : vector<1x16xi32> to vector<16xi32>
    %convert_element_type3A_1159 = arith.sitofp %get3A_1158 : vector<16xi32> to vector<16xf32>
    %neg3A_1160 = arith.constant 0.000000e+00 : f32
    %neg3A_1161 = vector.broadcast %neg3A_1160 : f32 to vector<16xf32>
    %neg3A_1162 = arith.subf %neg3A_1161, %get3A_1153 : vector<16xf32>
    %exp3A_1163 = math.exp %neg3A_1162 : vector<16xf32>
    %add3A_1164 = arith.constant 1.000000e+00 : f32
    %add3A_1165 = vector.broadcast %add3A_1164 : f32 to vector<16xf32>
    %add3A_1166 = arith.addf %add3A_1165, %exp3A_1163 : vector<16xf32>
    %div3A_1167 = arith.constant 1.000000e+00 : f32
    %div3A_1168 = vector.broadcast %div3A_1167 : f32 to vector<16xf32>
    %div3A_1169 = arith.divf %div3A_1168, %add3A_1166 : vector<16xf32>
    %max3A_1170 = arith.constant 9.99999974E-5 : f32
    %max3A_1171 = vector.broadcast %max3A_1170 : f32 to vector<16xf32>
    %max3A_1172 = arith.maximumf %div3A_1169, %max3A_1171 : vector<16xf32>
    %min3A_1173 = arith.constant 0.999899983 : f32
    %min3A_1174 = vector.broadcast %min3A_1173 : f32 to vector<16xf32>
    %min3A_1175 = arith.minimumf %max3A_1172, %min3A_1174 : vector<16xf32>
    %get3A_1176 = arith.constant 2 : i32
    %get3A_1177 = arith.index_cast %get3A_1176 : i32 to index
    %get3A_1178 = arith.constant 16 : index
    %get3A_1179 = tpu.vector_load %arg10[%get3A_1177, %get3A_1178] {strides = array<i32>} : memref<4x128xf32, #tpu.memory_space<vmem>>, vector<1x16xf32>,
    %get3A_1180 = vector.shape_cast %get3A_1179 : vector<1x16xf32> to vector<16xf32>
    %sub3A_1181 = arith.subf %min3A_1175, %get3A_1180 : vector<16xf32>
    %mul3A_1182 = arith.mulf %sub3A_1181, %convert_element_type3A_1159 : vector<16xf32>
    %mul3A_1183 = arith.mulf %mul3A_1182, %mul3A_1182 : vector<16xf32>
    %add3A_1184 = arith.addf %add3A_1148, %mul3A_1183 : vector<16xf32>
    %get3A_1185 = arith.constant 2 : i32
    %get3A_1186 = arith.index_cast %get3A_1185 : i32 to index
    %get3A_1187 = arith.constant 32 : index
    %get3A_1188 = tpu.vector_load %arg8[%get3A_1186, %get3A_1187] {strides = array<i32>} : memref<4x128xf32, #tpu.memory_space<vmem>>, vector<1x16xf32>,
    %get3A_1189 = vector.shape_cast %get3A_1188 : vector<1x16xf32> to vector<16xf32>
    %get3A_1190 = arith.constant 2 : i32
    %get3A_1191 = arith.index_cast %get3A_1190 : i32 to index
    %get3A_1192 = arith.constant 32 : index
    %get3A_1193 = tpu.vector_load %arg9[%get3A_1191, %get3A_1192] {strides = array<i32>} : memref<4x128xi32, #tpu.memory_space<vmem>>, vector<1x16xi32>,
    %get3A_1194 = vector.shape_cast %get3A_1193 : vector<1x16xi32> to vector<16xi32>
    %convert_element_type3A_1195 = arith.sitofp %get3A_1194 : vector<16xi32> to vector<16xf32>
    %neg3A_1196 = arith.constant 0.000000e+00 : f32
    %neg3A_1197 = vector.broadcast %neg3A_1196 : f32 to vector<16xf32>
    %neg3A_1198 = arith.subf %neg3A_1197, %get3A_1189 : vector<16xf32>
    %exp3A_1199 = math.exp %neg3A_1198 : vector<16xf32>
    %add3A_1200 = arith.constant 1.000000e+00 : f32
    %add3A_1201 = vector.broadcast %add3A_1200 : f32 to vector<16xf32>
    %add3A_1202 = arith.addf %add3A_1201, %exp3A_1199 : vector<16xf32>
    %div3A_1203 = arith.constant 1.000000e+00 : f32
    %div3A_1204 = vector.broadcast %div3A_1203 : f32 to vector<16xf32>
    %div3A_1205 = arith.divf %div3A_1204, %add3A_1202 : vector<16xf32>
    %max3A_1206 = arith.constant 9.99999974E-5 : f32
    %max3A_1207 = vector.broadcast %max3A_1206 : f32 to vector<16xf32>
    %max3A_1208 = arith.maximumf %div3A_1205, %max3A_1207 : vector<16xf32>
    %min3A_1209 = arith.constant 0.999899983 : f32
    %min3A_1210 = vector.broadcast %min3A_1209 : f32 to vector<16xf32>
    %min3A_1211 = arith.minimumf %max3A_1208, %min3A_1210 : vector<16xf32>
    %get3A_1212 = arith.constant 2 : i32
    %get3A_1213 = arith.index_cast %get3A_1212 : i32 to index
    %get3A_1214 = arith.constant 32 : index
    %get3A_1215 = tpu.vector_load %arg10[%get3A_1213, %get3A_1214] {strides = array<i32>} : memref<4x128xf32, #tpu.memory_space<vmem>>, vector<1x16xf32>,
    %get3A_1216 = vector.shape_cast %get3A_1215 : vector<1x16xf32> to vector<16xf32>
    %sub3A_1217 = arith.subf %min3A_1211, %get3A_1216 : vector<16xf32>
    %mul3A_1218 = arith.mulf %sub3A_1217, %convert_element_type3A_1195 : vector<16xf32>
    %mul3A_1219 = arith.mulf %mul3A_1218, %mul3A_1218 : vector<16xf32>
    %add3A_1220 = arith.addf %add3A_1184, %mul3A_1219 : vector<16xf32>
    %get3A_1221 = arith.constant 2 : i32
    %get3A_1222 = arith.index_cast %get3A_1221 : i32 to index
    %get3A_1223 = arith.constant 48 : index
    %get3A_1224 = tpu.vector_load %arg8[%get3A_1222, %get3A_1223] {strides = array<i32>} : memref<4x128xf32, #tpu.memory_space<vmem>>, vector<1x16xf32>,
    %get3A_1225 = vector.shape_cast %get3A_1224 : vector<1x16xf32> to vector<16xf32>
    %get3A_1226 = arith.constant 2 : i32
    %get3A_1227 = arith.index_cast %get3A_1226 : i32 to index
    %get3A_1228 = arith.constant 48 : index
    %get3A_1229 = tpu.vector_load %arg9[%get3A_1227, %get3A_1228] {strides = array<i32>} : memref<4x128xi32, #tpu.memory_space<vmem>>, vector<1x16xi32>,
    %get3A_1230 = vector.shape_cast %get3A_1229 : vector<1x16xi32> to vector<16xi32>
    %convert_element_type3A_1231 = arith.sitofp %get3A_1230 : vector<16xi32> to vector<16xf32>
    %neg3A_1232 = arith.constant 0.000000e+00 : f32
    %neg3A_1233 = vector.broadcast %neg3A_1232 : f32 to vector<16xf32>
    %neg3A_1234 = arith.subf %neg3A_1233, %get3A_1225 : vector<16xf32>
    %exp3A_1235 = math.exp %neg3A_1234 : vector<16xf32>
    %add3A_1236 = arith.constant 1.000000e+00 : f32
    %add3A_1237 = vector.broadcast %add3A_1236 : f32 to vector<16xf32>
    %add3A_1238 = arith.addf %add3A_1237, %exp3A_1235 : vector<16xf32>
    %div3A_1239 = arith.constant 1.000000e+00 : f32
    %div3A_1240 = vector.broadcast %div3A_1239 : f32 to vector<16xf32>
    %div3A_1241 = arith.divf %div3A_1240, %add3A_1238 : vector<16xf32>
    %max3A_1242 = arith.constant 9.99999974E-5 : f32
    %max3A_1243 = vector.broadcast %max3A_1242 : f32 to vector<16xf32>
    %max3A_1244 = arith.maximumf %div3A_1241, %max3A_1243 : vector<16xf32>
    %min3A_1245 = arith.constant 0.999899983 : f32
    %min3A_1246 = vector.broadcast %min3A_1245 : f32 to vector<16xf32>
    %min3A_1247 = arith.minimumf %max3A_1244, %min3A_1246 : vector<16xf32>
    %get3A_1248 = arith.constant 2 : i32
    %get3A_1249 = arith.index_cast %get3A_1248 : i32 to index
    %get3A_1250 = arith.constant 48 : index
    %get3A_1251 = tpu.vector_load %arg10[%get3A_1249, %get3A_1250] {strides = array<i32>} : memref<4x128xf32, #tpu.memory_space<vmem>>, vector<1x16xf32>,
    %get3A_1252 = vector.shape_cast %get3A_1251 : vector<1x16xf32> to vector<16xf32>
    %sub3A_1253 = arith.subf %min3A_1247, %get3A_1252 : vector<16xf32>
    %mul3A_1254 = arith.mulf %sub3A_1253, %convert_element_type3A_1231 : vector<16xf32>
    %mul3A_1255 = arith.mulf %mul3A_1254, %mul3A_1254 : vector<16xf32>
    %add3A_1256 = arith.addf %add3A_1220, %mul3A_1255 : vector<16xf32>
    %get3A_1257 = arith.constant 2 : i32
    %get3A_1258 = arith.index_cast %get3A_1257 : i32 to index
    %get3A_1259 = arith.constant 64 : index
    %get3A_1260 = tpu.vector_load %arg8[%get3A_1258, %get3A_1259] {strides = array<i32>} : memref<4x128xf32, #tpu.memory_space<vmem>>, vector<1x16xf32>,
    %get3A_1261 = vector.shape_cast %get3A_1260 : vector<1x16xf32> to vector<16xf32>
    %get3A_1262 = arith.constant 2 : i32
    %get3A_1263 = arith.index_cast %get3A_1262 : i32 to index
    %get3A_1264 = arith.constant 64 : index
    %get3A_1265 = tpu.vector_load %arg9[%get3A_1263, %get3A_1264] {strides = array<i32>} : memref<4x128xi32, #tpu.memory_space<vmem>>, vector<1x16xi32>,
    %get3A_1266 = vector.shape_cast %get3A_1265 : vector<1x16xi32> to vector<16xi32>
    %convert_element_type3A_1267 = arith.sitofp %get3A_1266 : vector<16xi32> to vector<16xf32>
    %neg3A_1268 = arith.constant 0.000000e+00 : f32
    %neg3A_1269 = vector.broadcast %neg3A_1268 : f32 to vector<16xf32>
    %neg3A_1270 = arith.subf %neg3A_1269, %get3A_1261 : vector<16xf32>
    %exp3A_1271 = math.exp %neg3A_1270 : vector<16xf32>
    %add3A_1272 = arith.constant 1.000000e+00 : f32
    %add3A_1273 = vector.broadcast %add3A_1272 : f32 to vector<16xf32>
    %add3A_1274 = arith.addf %add3A_1273, %exp3A_1271 : vector<16xf32>
    %div3A_1275 = arith.constant 1.000000e+00 : f32
    %div3A_1276 = vector.broadcast %div3A_1275 : f32 to vector<16xf32>
    %div3A_1277 = arith.divf %div3A_1276, %add3A_1274 : vector<16xf32>
    %max3A_1278 = arith.constant 9.99999974E-5 : f32
    %max3A_1279 = vector.broadcast %max3A_1278 : f32 to vector<16xf32>
    %max3A_1280 = arith.maximumf %div3A_1277, %max3A_1279 : vector<16xf32>
    %min3A_1281 = arith.constant 0.999899983 : f32
    %min3A_1282 = vector.broadcast %min3A_1281 : f32 to vector<16xf32>
    %min3A_1283 = arith.minimumf %max3A_1280, %min3A_1282 : vector<16xf32>
    %get3A_1284 = arith.constant 2 : i32
    %get3A_1285 = arith.index_cast %get3A_1284 : i32 to index
    %get3A_1286 = arith.constant 64 : index
    %get3A_1287 = tpu.vector_load %arg10[%get3A_1285, %get3A_1286] {strides = array<i32>} : memref<4x128xf32, #tpu.memory_space<vmem>>, vector<1x16xf32>,
    %get3A_1288 = vector.shape_cast %get3A_1287 : vector<1x16xf32> to vector<16xf32>
    %sub3A_1289 = arith.subf %min3A_1283, %get3A_1288 : vector<16xf32>
    %mul3A_1290 = arith.mulf %sub3A_1289, %convert_element_type3A_1267 : vector<16xf32>
    %mul3A_1291 = arith.mulf %mul3A_1290, %mul3A_1290 : vector<16xf32>
    %add3A_1292 = arith.addf %add3A_1256, %mul3A_1291 : vector<16xf32>
    %get3A_1293 = arith.constant 2 : i32
    %get3A_1294 = arith.index_cast %get3A_1293 : i32 to index
    %get3A_1295 = arith.constant 80 : index
    %get3A_1296 = tpu.vector_load %arg8[%get3A_1294, %get3A_1295] {strides = array<i32>} : memref<4x128xf32, #tpu.memory_space<vmem>>, vector<1x16xf32>,
    %get3A_1297 = vector.shape_cast %get3A_1296 : vector<1x16xf32> to vector<16xf32>
    %get3A_1298 = arith.constant 2 : i32
    %get3A_1299 = arith.index_cast %get3A_1298 : i32 to index
    %get3A_1300 = arith.constant 80 : index
    %get3A_1301 = tpu.vector_load %arg9[%get3A_1299, %get3A_1300] {strides = array<i32>} : memref<4x128xi32, #tpu.memory_space<vmem>>, vector<1x16xi32>,
    %get3A_1302 = vector.shape_cast %get3A_1301 : vector<1x16xi32> to vector<16xi32>
    %convert_element_type3A_1303 = arith.sitofp %get3A_1302 : vector<16xi32> to vector<16xf32>
    %neg3A_1304 = arith.constant 0.000000e+00 : f32
    %neg3A_1305 = vector.broadcast %neg3A_1304 : f32 to vector<16xf32>
    %neg3A_1306 = arith.subf %neg3A_1305, %get3A_1297 : vector<16xf32>
    %exp3A_1307 = math.exp %neg3A_1306 : vector<16xf32>
    %add3A_1308 = arith.constant 1.000000e+00 : f32
    %add3A_1309 = vector.broadcast %add3A_1308 : f32 to vector<16xf32>
    %add3A_1310 = arith.addf %add3A_1309, %exp3A_1307 : vector<16xf32>
    %div3A_1311 = arith.constant 1.000000e+00 : f32
    %div3A_1312 = vector.broadcast %div3A_1311 : f32 to vector<16xf32>
    %div3A_1313 = arith.divf %div3A_1312, %add3A_1310 : vector<16xf32>
    %max3A_1314 = arith.constant 9.99999974E-5 : f32
    %max3A_1315 = vector.broadcast %max3A_1314 : f32 to vector<16xf32>
    %max3A_1316 = arith.maximumf %div3A_1313, %max3A_1315 : vector<16xf32>
    %min3A_1317 = arith.constant 0.999899983 : f32
    %min3A_1318 = vector.broadcast %min3A_1317 : f32 to vector<16xf32>
    %min3A_1319 = arith.minimumf %max3A_1316, %min3A_1318 : vector<16xf32>
    %get3A_1320 = arith.constant 2 : i32
    %get3A_1321 = arith.index_cast %get3A_1320 : i32 to index
    %get3A_1322 = arith.constant 80 : index
    %get3A_1323 = tpu.vector_load %arg10[%get3A_1321, %get3A_1322] {strides = array<i32>} : memref<4x128xf32, #tpu.memory_space<vmem>>, vector<1x16xf32>,
    %get3A_1324 = vector.shape_cast %get3A_1323 : vector<1x16xf32> to vector<16xf32>
    %sub3A_1325 = arith.subf %min3A_1319, %get3A_1324 : vector<16xf32>
    %mul3A_1326 = arith.mulf %sub3A_1325, %convert_element_type3A_1303 : vector<16xf32>
    %mul3A_1327 = arith.mulf %mul3A_1326, %mul3A_1326 : vector<16xf32>
    %add3A_1328 = arith.addf %add3A_1292, %mul3A_1327 : vector<16xf32>
    %get3A_1329 = arith.constant 2 : i32
    %get3A_1330 = arith.index_cast %get3A_1329 : i32 to index
    %get3A_1331 = arith.constant 96 : index
    %get3A_1332 = tpu.vector_load %arg8[%get3A_1330, %get3A_1331] {strides = array<i32>} : memref<4x128xf32, #tpu.memory_space<vmem>>, vector<1x16xf32>,
    %get3A_1333 = vector.shape_cast %get3A_1332 : vector<1x16xf32> to vector<16xf32>
    %get3A_1334 = arith.constant 2 : i32
    %get3A_1335 = arith.index_cast %get3A_1334 : i32 to index
    %get3A_1336 = arith.constant 96 : index
    %get3A_1337 = tpu.vector_load %arg9[%get3A_1335, %get3A_1336] {strides = array<i32>} : memref<4x128xi32, #tpu.memory_space<vmem>>, vector<1x16xi32>,
    %get3A_1338 = vector.shape_cast %get3A_1337 : vector<1x16xi32> to vector<16xi32>
    %convert_element_type3A_1339 = arith.sitofp %get3A_1338 : vector<16xi32> to vector<16xf32>
    %neg3A_1340 = arith.constant 0.000000e+00 : f32
    %neg3A_1341 = vector.broadcast %neg3A_1340 : f32 to vector<16xf32>
    %neg3A_1342 = arith.subf %neg3A_1341, %get3A_1333 : vector<16xf32>
    %exp3A_1343 = math.exp %neg3A_1342 : vector<16xf32>
    %add3A_1344 = arith.constant 1.000000e+00 : f32
    %add3A_1345 = vector.broadcast %add3A_1344 : f32 to vector<16xf32>
    %add3A_1346 = arith.addf %add3A_1345, %exp3A_1343 : vector<16xf32>
    %div3A_1347 = arith.constant 1.000000e+00 : f32
    %div3A_1348 = vector.broadcast %div3A_1347 : f32 to vector<16xf32>
    %div3A_1349 = arith.divf %div3A_1348, %add3A_1346 : vector<16xf32>
    %max3A_1350 = arith.constant 9.99999974E-5 : f32
    %max3A_1351 = vector.broadcast %max3A_1350 : f32 to vector<16xf32>
    %max3A_1352 = arith.maximumf %div3A_1349, %max3A_1351 : vector<16xf32>
    %min3A_1353 = arith.constant 0.999899983 : f32
    %min3A_1354 = vector.broadcast %min3A_1353 : f32 to vector<16xf32>
    %min3A_1355 = arith.minimumf %max3A_1352, %min3A_1354 : vector<16xf32>
    %get3A_1356 = arith.constant 2 : i32
    %get3A_1357 = arith.index_cast %get3A_1356 : i32 to index
    %get3A_1358 = arith.constant 96 : index
    %get3A_1359 = tpu.vector_load %arg10[%get3A_1357, %get3A_1358] {strides = array<i32>} : memref<4x128xf32, #tpu.memory_space<vmem>>, vector<1x16xf32>,
    %get3A_1360 = vector.shape_cast %get3A_1359 : vector<1x16xf32> to vector<16xf32>
    %sub3A_1361 = arith.subf %min3A_1355, %get3A_1360 : vector<16xf32>
    %mul3A_1362 = arith.mulf %sub3A_1361, %convert_element_type3A_1339 : vector<16xf32>
    %mul3A_1363 = arith.mulf %mul3A_1362, %mul3A_1362 : vector<16xf32>
    %add3A_1364 = arith.addf %add3A_1328, %mul3A_1363 : vector<16xf32>
    %get3A_1365 = arith.constant 2 : i32
    %get3A_1366 = arith.index_cast %get3A_1365 : i32 to index
    %get3A_1367 = arith.constant 112 : index
    %get3A_1368 = tpu.vector_load %arg8[%get3A_1366, %get3A_1367] {strides = array<i32>} : memref<4x128xf32, #tpu.memory_space<vmem>>, vector<1x16xf32>,
    %get3A_1369 = vector.shape_cast %get3A_1368 : vector<1x16xf32> to vector<16xf32>
    %get3A_1370 = arith.constant 2 : i32
    %get3A_1371 = arith.index_cast %get3A_1370 : i32 to index
    %get3A_1372 = arith.constant 112 : index
    %get3A_1373 = tpu.vector_load %arg9[%get3A_1371, %get3A_1372] {strides = array<i32>} : memref<4x128xi32, #tpu.memory_space<vmem>>, vector<1x16xi32>,
    %get3A_1374 = vector.shape_cast %get3A_1373 : vector<1x16xi32> to vector<16xi32>
    %convert_element_type3A_1375 = arith.sitofp %get3A_1374 : vector<16xi32> to vector<16xf32>
    %neg3A_1376 = arith.constant 0.000000e+00 : f32
    %neg3A_1377 = vector.broadcast %neg3A_1376 : f32 to vector<16xf32>
    %neg3A_1378 = arith.subf %neg3A_1377, %get3A_1369 : vector<16xf32>
    %exp3A_1379 = math.exp %neg3A_1378 : vector<16xf32>
    %add3A_1380 = arith.constant 1.000000e+00 : f32
    %add3A_1381 = vector.broadcast %add3A_1380 : f32 to vector<16xf32>
    %add3A_1382 = arith.addf %add3A_1381, %exp3A_1379 : vector<16xf32>
    %div3A_1383 = arith.constant 1.000000e+00 : f32
    %div3A_1384 = vector.broadcast %div3A_1383 : f32 to vector<16xf32>
    %div3A_1385 = arith.divf %div3A_1384, %add3A_1382 : vector<16xf32>
    %max3A_1386 = arith.constant 9.99999974E-5 : f32
    %max3A_1387 = vector.broadcast %max3A_1386 : f32 to vector<16xf32>
    %max3A_1388 = arith.maximumf %div3A_1385, %max3A_1387 : vector<16xf32>
    %min3A_1389 = arith.constant 0.999899983 : f32
    %min3A_1390 = vector.broadcast %min3A_1389 : f32 to vector<16xf32>
    %min3A_1391 = arith.minimumf %max3A_1388, %min3A_1390 : vector<16xf32>
    %get3A_1392 = arith.constant 2 : i32
    %get3A_1393 = arith.index_cast %get3A_1392 : i32 to index
    %get3A_1394 = arith.constant 112 : index
    %get3A_1395 = tpu.vector_load %arg10[%get3A_1393, %get3A_1394] {strides = array<i32>} : memref<4x128xf32, #tpu.memory_space<vmem>>, vector<1x16xf32>,
    %get3A_1396 = vector.shape_cast %get3A_1395 : vector<1x16xf32> to vector<16xf32>
    %sub3A_1397 = arith.subf %min3A_1391, %get3A_1396 : vector<16xf32>
    %mul3A_1398 = arith.mulf %sub3A_1397, %convert_element_type3A_1375 : vector<16xf32>
    %mul3A_1399 = arith.mulf %mul3A_1398, %mul3A_1398 : vector<16xf32>
    %add3A_1400 = arith.addf %add3A_1364, %mul3A_1399 : vector<16xf32>
    %get3A_1401 = arith.constant 3 : i32
    %get3A_1402 = arith.index_cast %get3A_1401 : i32 to index
    %get3A_1403 = arith.constant 0 : index
    %get3A_1404 = tpu.vector_load %arg8[%get3A_1402, %get3A_1403] {strides = array<i32>} : memref<4x128xf32, #tpu.memory_space<vmem>>, vector<1x16xf32>,
    %get3A_1405 = vector.shape_cast %get3A_1404 : vector<1x16xf32> to vector<16xf32>
    %get3A_1406 = arith.constant 3 : i32
    %get3A_1407 = arith.index_cast %get3A_1406 : i32 to index
    %get3A_1408 = arith.constant 0 : index
    %get3A_1409 = tpu.vector_load %arg9[%get3A_1407, %get3A_1408] {strides = array<i32>} : memref<4x128xi32, #tpu.memory_space<vmem>>, vector<1x16xi32>,
    %get3A_1410 = vector.shape_cast %get3A_1409 : vector<1x16xi32> to vector<16xi32>
    %convert_element_type3A_1411 = arith.sitofp %get3A_1410 : vector<16xi32> to vector<16xf32>
    %neg3A_1412 = arith.constant 0.000000e+00 : f32
    %neg3A_1413 = vector.broadcast %neg3A_1412 : f32 to vector<16xf32>
    %neg3A_1414 = arith.subf %neg3A_1413, %get3A_1405 : vector<16xf32>
    %exp3A_1415 = math.exp %neg3A_1414 : vector<16xf32>
    %add3A_1416 = arith.constant 1.000000e+00 : f32
    %add3A_1417 = vector.broadcast %add3A_1416 : f32 to vector<16xf32>
    %add3A_1418 = arith.addf %add3A_1417, %exp3A_1415 : vector<16xf32>
    %div3A_1419 = arith.constant 1.000000e+00 : f32
    %div3A_1420 = vector.broadcast %div3A_1419 : f32 to vector<16xf32>
    %div3A_1421 = arith.divf %div3A_1420, %add3A_1418 : vector<16xf32>
    %max3A_1422 = arith.constant 9.99999974E-5 : f32
    %max3A_1423 = vector.broadcast %max3A_1422 : f32 to vector<16xf32>
    %max3A_1424 = arith.maximumf %div3A_1421, %max3A_1423 : vector<16xf32>
    %min3A_1425 = arith.constant 0.999899983 : f32
    %min3A_1426 = vector.broadcast %min3A_1425 : f32 to vector<16xf32>
    %min3A_1427 = arith.minimumf %max3A_1424, %min3A_1426 : vector<16xf32>
    %get3A_1428 = arith.constant 3 : i32
    %get3A_1429 = arith.index_cast %get3A_1428 : i32 to index
    %get3A_1430 = arith.constant 0 : index
    %get3A_1431 = tpu.vector_load %arg10[%get3A_1429, %get3A_1430] {strides = array<i32>} : memref<4x128xf32, #tpu.memory_space<vmem>>, vector<1x16xf32>,
    %get3A_1432 = vector.shape_cast %get3A_1431 : vector<1x16xf32> to vector<16xf32>
    %sub3A_1433 = arith.subf %min3A_1427, %get3A_1432 : vector<16xf32>
    %mul3A_1434 = arith.mulf %sub3A_1433, %convert_element_type3A_1411 : vector<16xf32>
    %mul3A_1435 = arith.mulf %mul3A_1434, %mul3A_1434 : vector<16xf32>
    %add3A_1436 = arith.addf %add3A_1400, %mul3A_1435 : vector<16xf32>
    %get3A_1437 = arith.constant 3 : i32
    %get3A_1438 = arith.index_cast %get3A_1437 : i32 to index
    %get3A_1439 = arith.constant 16 : index
    %get3A_1440 = tpu.vector_load %arg8[%get3A_1438, %get3A_1439] {strides = array<i32>} : memref<4x128xf32, #tpu.memory_space<vmem>>, vector<1x16xf32>,
    %get3A_1441 = vector.shape_cast %get3A_1440 : vector<1x16xf32> to vector<16xf32>
    %get3A_1442 = arith.constant 3 : i32
    %get3A_1443 = arith.index_cast %get3A_1442 : i32 to index
    %get3A_1444 = arith.constant 16 : index
    %get3A_1445 = tpu.vector_load %arg9[%get3A_1443, %get3A_1444] {strides = array<i32>} : memref<4x128xi32, #tpu.memory_space<vmem>>, vector<1x16xi32>,
    %get3A_1446 = vector.shape_cast %get3A_1445 : vector<1x16xi32> to vector<16xi32>
    %convert_element_type3A_1447 = arith.sitofp %get3A_1446 : vector<16xi32> to vector<16xf32>
    %neg3A_1448 = arith.constant 0.000000e+00 : f32
    %neg3A_1449 = vector.broadcast %neg3A_1448 : f32 to vector<16xf32>
    %neg3A_1450 = arith.subf %neg3A_1449, %get3A_1441 : vector<16xf32>
    %exp3A_1451 = math.exp %neg3A_1450 : vector<16xf32>
    %add3A_1452 = arith.constant 1.000000e+00 : f32
    %add3A_1453 = vector.broadcast %add3A_1452 : f32 to vector<16xf32>
    %add3A_1454 = arith.addf %add3A_1453, %exp3A_1451 : vector<16xf32>
    %div3A_1455 = arith.constant 1.000000e+00 : f32
    %div3A_1456 = vector.broadcast %div3A_1455 : f32 to vector<16xf32>
    %div3A_1457 = arith.divf %div3A_1456, %add3A_1454 : vector<16xf32>
    %max3A_1458 = arith.constant 9.99999974E-5 : f32
    %max3A_1459 = vector.broadcast %max3A_1458 : f32 to vector<16xf32>
    %max3A_1460 = arith.maximumf %div3A_1457, %max3A_1459 : vector<16xf32>
    %min3A_1461 = arith.constant 0.999899983 : f32
    %min3A_1462 = vector.broadcast %min3A_1461 : f32 to vector<16xf32>
    %min3A_1463 = arith.minimumf %max3A_1460, %min3A_1462 : vector<16xf32>
    %get3A_1464 = arith.constant 3 : i32
    %get3A_1465 = arith.index_cast %get3A_1464 : i32 to index
    %get3A_1466 = arith.constant 16 : index
    %get3A_1467 = tpu.vector_load %arg10[%get3A_1465, %get3A_1466] {strides = array<i32>} : memref<4x128xf32, #tpu.memory_space<vmem>>, vector<1x16xf32>,
    %get3A_1468 = vector.shape_cast %get3A_1467 : vector<1x16xf32> to vector<16xf32>
    %sub3A_1469 = arith.subf %min3A_1463, %get3A_1468 : vector<16xf32>
    %mul3A_1470 = arith.mulf %sub3A_1469, %convert_element_type3A_1447 : vector<16xf32>
    %mul3A_1471 = arith.mulf %mul3A_1470, %mul3A_1470 : vector<16xf32>
    %add3A_1472 = arith.addf %add3A_1436, %mul3A_1471 : vector<16xf32>
    %get3A_1473 = arith.constant 3 : i32
    %get3A_1474 = arith.index_cast %get3A_1473 : i32 to index
    %get3A_1475 = arith.constant 32 : index
    %get3A_1476 = tpu.vector_load %arg8[%get3A_1474, %get3A_1475] {strides = array<i32>} : memref<4x128xf32, #tpu.memory_space<vmem>>, vector<1x16xf32>,
    %get3A_1477 = vector.shape_cast %get3A_1476 : vector<1x16xf32> to vector<16xf32>
    %get3A_1478 = arith.constant 3 : i32
    %get3A_1479 = arith.index_cast %get3A_1478 : i32 to index
    %get3A_1480 = arith.constant 32 : index
    %get3A_1481 = tpu.vector_load %arg9[%get3A_1479, %get3A_1480] {strides = array<i32>} : memref<4x128xi32, #tpu.memory_space<vmem>>, vector<1x16xi32>,
    %get3A_1482 = vector.shape_cast %get3A_1481 : vector<1x16xi32> to vector<16xi32>
    %convert_element_type3A_1483 = arith.sitofp %get3A_1482 : vector<16xi32> to vector<16xf32>
    %neg3A_1484 = arith.constant 0.000000e+00 : f32
    %neg3A_1485 = vector.broadcast %neg3A_1484 : f32 to vector<16xf32>
    %neg3A_1486 = arith.subf %neg3A_1485, %get3A_1477 : vector<16xf32>
    %exp3A_1487 = math.exp %neg3A_1486 : vector<16xf32>
    %add3A_1488 = arith.constant 1.000000e+00 : f32
    %add3A_1489 = vector.broadcast %add3A_1488 : f32 to vector<16xf32>
    %add3A_1490 = arith.addf %add3A_1489, %exp3A_1487 : vector<16xf32>
    %div3A_1491 = arith.constant 1.000000e+00 : f32
    %div3A_1492 = vector.broadcast %div3A_1491 : f32 to vector<16xf32>
    %div3A_1493 = arith.divf %div3A_1492, %add3A_1490 : vector<16xf32>
    %max3A_1494 = arith.constant 9.99999974E-5 : f32
    %max3A_1495 = vector.broadcast %max3A_1494 : f32 to vector<16xf32>
    %max3A_1496 = arith.maximumf %div3A_1493, %max3A_1495 : vector<16xf32>
    %min3A_1497 = arith.constant 0.999899983 : f32
    %min3A_1498 = vector.broadcast %min3A_1497 : f32 to vector<16xf32>
    %min3A_1499 = arith.minimumf %max3A_1496, %min3A_1498 : vector<16xf32>
    %get3A_1500 = arith.constant 3 : i32
    %get3A_1501 = arith.index_cast %get3A_1500 : i32 to index
    %get3A_1502 = arith.constant 32 : index
    %get3A_1503 = tpu.vector_load %arg10[%get3A_1501, %get3A_1502] {strides = array<i32>} : memref<4x128xf32, #tpu.memory_space<vmem>>, vector<1x16xf32>,
    %get3A_1504 = vector.shape_cast %get3A_1503 : vector<1x16xf32> to vector<16xf32>
    %sub3A_1505 = arith.subf %min3A_1499, %get3A_1504 : vector<16xf32>
    %mul3A_1506 = arith.mulf %sub3A_1505, %convert_element_type3A_1483 : vector<16xf32>
    %mul3A_1507 = arith.mulf %mul3A_1506, %mul3A_1506 : vector<16xf32>
    %add3A_1508 = arith.addf %add3A_1472, %mul3A_1507 : vector<16xf32>
    %get3A_1509 = arith.constant 3 : i32
    %get3A_1510 = arith.index_cast %get3A_1509 : i32 to index
    %get3A_1511 = arith.constant 48 : index
    %get3A_1512 = tpu.vector_load %arg8[%get3A_1510, %get3A_1511] {strides = array<i32>} : memref<4x128xf32, #tpu.memory_space<vmem>>, vector<1x16xf32>,
    %get3A_1513 = vector.shape_cast %get3A_1512 : vector<1x16xf32> to vector<16xf32>
    %get3A_1514 = arith.constant 3 : i32
    %get3A_1515 = arith.index_cast %get3A_1514 : i32 to index
    %get3A_1516 = arith.constant 48 : index
    %get3A_1517 = tpu.vector_load %arg9[%get3A_1515, %get3A_1516] {strides = array<i32>} : memref<4x128xi32, #tpu.memory_space<vmem>>, vector<1x16xi32>,
    %get3A_1518 = vector.shape_cast %get3A_1517 : vector<1x16xi32> to vector<16xi32>
    %convert_element_type3A_1519 = arith.sitofp %get3A_1518 : vector<16xi32> to vector<16xf32>
    %neg3A_1520 = arith.constant 0.000000e+00 : f32
    %neg3A_1521 = vector.broadcast %neg3A_1520 : f32 to vector<16xf32>
    %neg3A_1522 = arith.subf %neg3A_1521, %get3A_1513 : vector<16xf32>
    %exp3A_1523 = math.exp %neg3A_1522 : vector<16xf32>
    %add3A_1524 = arith.constant 1.000000e+00 : f32
    %add3A_1525 = vector.broadcast %add3A_1524 : f32 to vector<16xf32>
    %add3A_1526 = arith.addf %add3A_1525, %exp3A_1523 : vector<16xf32>
    %div3A_1527 = arith.constant 1.000000e+00 : f32
    %div3A_1528 = vector.broadcast %div3A_1527 : f32 to vector<16xf32>
    %div3A_1529 = arith.divf %div3A_1528, %add3A_1526 : vector<16xf32>
    %max3A_1530 = arith.constant 9.99999974E-5 : f32
    %max3A_1531 = vector.broadcast %max3A_1530 : f32 to vector<16xf32>
    %max3A_1532 = arith.maximumf %div3A_1529, %max3A_1531 : vector<16xf32>
    %min3A_1533 = arith.constant 0.999899983 : f32
    %min3A_1534 = vector.broadcast %min3A_1533 : f32 to vector<16xf32>
    %min3A_1535 = arith.minimumf %max3A_1532, %min3A_1534 : vector<16xf32>
    %get3A_1536 = arith.constant 3 : i32
    %get3A_1537 = arith.index_cast %get3A_1536 : i32 to index
    %get3A_1538 = arith.constant 48 : index
    %get3A_1539 = tpu.vector_load %arg10[%get3A_1537, %get3A_1538] {strides = array<i32>} : memref<4x128xf32, #tpu.memory_space<vmem>>, vector<1x16xf32>,
    %get3A_1540 = vector.shape_cast %get3A_1539 : vector<1x16xf32> to vector<16xf32>
    %sub3A_1541 = arith.subf %min3A_1535, %get3A_1540 : vector<16xf32>
    %mul3A_1542 = arith.mulf %sub3A_1541, %convert_element_type3A_1519 : vector<16xf32>
    %mul3A_1543 = arith.mulf %mul3A_1542, %mul3A_1542 : vector<16xf32>
    %add3A_1544 = arith.addf %add3A_1508, %mul3A_1543 : vector<16xf32>
    %get3A_1545 = arith.constant 3 : i32
    %get3A_1546 = arith.index_cast %get3A_1545 : i32 to index
    %get3A_1547 = arith.constant 64 : index
    %get3A_1548 = tpu.vector_load %arg8[%get3A_1546, %get3A_1547] {strides = array<i32>} : memref<4x128xf32, #tpu.memory_space<vmem>>, vector<1x16xf32>,
    %get3A_1549 = vector.shape_cast %get3A_1548 : vector<1x16xf32> to vector<16xf32>
    %get3A_1550 = arith.constant 3 : i32
    %get3A_1551 = arith.index_cast %get3A_1550 : i32 to index
    %get3A_1552 = arith.constant 64 : index
    %get3A_1553 = tpu.vector_load %arg9[%get3A_1551, %get3A_1552] {strides = array<i32>} : memref<4x128xi32, #tpu.memory_space<vmem>>, vector<1x16xi32>,
    %get3A_1554 = vector.shape_cast %get3A_1553 : vector<1x16xi32> to vector<16xi32>
    %convert_element_type3A_1555 = arith.sitofp %get3A_1554 : vector<16xi32> to vector<16xf32>
    %neg3A_1556 = arith.constant 0.000000e+00 : f32
    %neg3A_1557 = vector.broadcast %neg3A_1556 : f32 to vector<16xf32>
    %neg3A_1558 = arith.subf %neg3A_1557, %get3A_1549 : vector<16xf32>
    %exp3A_1559 = math.exp %neg3A_1558 : vector<16xf32>
    %add3A_1560 = arith.constant 1.000000e+00 : f32
    %add3A_1561 = vector.broadcast %add3A_1560 : f32 to vector<16xf32>
    %add3A_1562 = arith.addf %add3A_1561, %exp3A_1559 : vector<16xf32>
    %div3A_1563 = arith.constant 1.000000e+00 : f32
    %div3A_1564 = vector.broadcast %div3A_1563 : f32 to vector<16xf32>
    %div3A_1565 = arith.divf %div3A_1564, %add3A_1562 : vector<16xf32>
    %max3A_1566 = arith.constant 9.99999974E-5 : f32
    %max3A_1567 = vector.broadcast %max3A_1566 : f32 to vector<16xf32>
    %max3A_1568 = arith.maximumf %div3A_1565, %max3A_1567 : vector<16xf32>
    %min3A_1569 = arith.constant 0.999899983 : f32
    %min3A_1570 = vector.broadcast %min3A_1569 : f32 to vector<16xf32>
    %min3A_1571 = arith.minimumf %max3A_1568, %min3A_1570 : vector<16xf32>
    %get3A_1572 = arith.constant 3 : i32
    %get3A_1573 = arith.index_cast %get3A_1572 : i32 to index
    %get3A_1574 = arith.constant 64 : index
    %get3A_1575 = tpu.vector_load %arg10[%get3A_1573, %get3A_1574] {strides = array<i32>} : memref<4x128xf32, #tpu.memory_space<vmem>>, vector<1x16xf32>,
    %get3A_1576 = vector.shape_cast %get3A_1575 : vector<1x16xf32> to vector<16xf32>
    %sub3A_1577 = arith.subf %min3A_1571, %get3A_1576 : vector<16xf32>
    %mul3A_1578 = arith.mulf %sub3A_1577, %convert_element_type3A_1555 : vector<16xf32>
    %mul3A_1579 = arith.mulf %mul3A_1578, %mul3A_1578 : vector<16xf32>
    %add3A_1580 = arith.addf %add3A_1544, %mul3A_1579 : vector<16xf32>
    %get3A_1581 = arith.constant 3 : i32
    %get3A_1582 = arith.index_cast %get3A_1581 : i32 to index
    %get3A_1583 = arith.constant 80 : index
    %get3A_1584 = tpu.vector_load %arg8[%get3A_1582, %get3A_1583] {strides = array<i32>} : memref<4x128xf32, #tpu.memory_space<vmem>>, vector<1x16xf32>,
    %get3A_1585 = vector.shape_cast %get3A_1584 : vector<1x16xf32> to vector<16xf32>
    %get3A_1586 = arith.constant 3 : i32
    %get3A_1587 = arith.index_cast %get3A_1586 : i32 to index
    %get3A_1588 = arith.constant 80 : index
    %get3A_1589 = tpu.vector_load %arg9[%get3A_1587, %get3A_1588] {strides = array<i32>} : memref<4x128xi32, #tpu.memory_space<vmem>>, vector<1x16xi32>,
    %get3A_1590 = vector.shape_cast %get3A_1589 : vector<1x16xi32> to vector<16xi32>
    %convert_element_type3A_1591 = arith.sitofp %get3A_1590 : vector<16xi32> to vector<16xf32>
    %neg3A_1592 = arith.constant 0.000000e+00 : f32
    %neg3A_1593 = vector.broadcast %neg3A_1592 : f32 to vector<16xf32>
    %neg3A_1594 = arith.subf %neg3A_1593, %get3A_1585 : vector<16xf32>
    %exp3A_1595 = math.exp %neg3A_1594 : vector<16xf32>
    %add3A_1596 = arith.constant 1.000000e+00 : f32
    %add3A_1597 = vector.broadcast %add3A_1596 : f32 to vector<16xf32>
    %add3A_1598 = arith.addf %add3A_1597, %exp3A_1595 : vector<16xf32>
    %div3A_1599 = arith.constant 1.000000e+00 : f32
    %div3A_1600 = vector.broadcast %div3A_1599 : f32 to vector<16xf32>
    %div3A_1601 = arith.divf %div3A_1600, %add3A_1598 : vector<16xf32>
    %max3A_1602 = arith.constant 9.99999974E-5 : f32
    %max3A_1603 = vector.broadcast %max3A_1602 : f32 to vector<16xf32>
    %max3A_1604 = arith.maximumf %div3A_1601, %max3A_1603 : vector<16xf32>
    %min3A_1605 = arith.constant 0.999899983 : f32
    %min3A_1606 = vector.broadcast %min3A_1605 : f32 to vector<16xf32>
    %min3A_1607 = arith.minimumf %max3A_1604, %min3A_1606 : vector<16xf32>
    %get3A_1608 = arith.constant 3 : i32
    %get3A_1609 = arith.index_cast %get3A_1608 : i32 to index
    %get3A_1610 = arith.constant 80 : index
    %get3A_1611 = tpu.vector_load %arg10[%get3A_1609, %get3A_1610] {strides = array<i32>} : memref<4x128xf32, #tpu.memory_space<vmem>>, vector<1x16xf32>,
    %get3A_1612 = vector.shape_cast %get3A_1611 : vector<1x16xf32> to vector<16xf32>
    %sub3A_1613 = arith.subf %min3A_1607, %get3A_1612 : vector<16xf32>
    %mul3A_1614 = arith.mulf %sub3A_1613, %convert_element_type3A_1591 : vector<16xf32>
    %mul3A_1615 = arith.mulf %mul3A_1614, %mul3A_1614 : vector<16xf32>
    %add3A_1616 = arith.addf %add3A_1580, %mul3A_1615 : vector<16xf32>
    %get3A_1617 = arith.constant 3 : i32
    %get3A_1618 = arith.index_cast %get3A_1617 : i32 to index
    %get3A_1619 = arith.constant 96 : index
    %get3A_1620 = tpu.vector_load %arg8[%get3A_1618, %get3A_1619] {strides = array<i32>} : memref<4x128xf32, #tpu.memory_space<vmem>>, vector<1x16xf32>,
    %get3A_1621 = vector.shape_cast %get3A_1620 : vector<1x16xf32> to vector<16xf32>
    %get3A_1622 = arith.constant 3 : i32
    %get3A_1623 = arith.index_cast %get3A_1622 : i32 to index
    %get3A_1624 = arith.constant 96 : index
    %get3A_1625 = tpu.vector_load %arg9[%get3A_1623, %get3A_1624] {strides = array<i32>} : memref<4x128xi32, #tpu.memory_space<vmem>>, vector<1x16xi32>,
    %get3A_1626 = vector.shape_cast %get3A_1625 : vector<1x16xi32> to vector<16xi32>
    %convert_element_type3A_1627 = arith.sitofp %get3A_1626 : vector<16xi32> to vector<16xf32>
    %neg3A_1628 = arith.constant 0.000000e+00 : f32
    %neg3A_1629 = vector.broadcast %neg3A_1628 : f32 to vector<16xf32>
    %neg3A_1630 = arith.subf %neg3A_1629, %get3A_1621 : vector<16xf32>
    %exp3A_1631 = math.exp %neg3A_1630 : vector<16xf32>
    %add3A_1632 = arith.constant 1.000000e+00 : f32
    %add3A_1633 = vector.broadcast %add3A_1632 : f32 to vector<16xf32>
    %add3A_1634 = arith.addf %add3A_1633, %exp3A_1631 : vector<16xf32>
    %div3A_1635 = arith.constant 1.000000e+00 : f32
    %div3A_1636 = vector.broadcast %div3A_1635 : f32 to vector<16xf32>
    %div3A_1637 = arith.divf %div3A_1636, %add3A_1634 : vector<16xf32>
    %max3A_1638 = arith.constant 9.99999974E-5 : f32
    %max3A_1639 = vector.broadcast %max3A_1638 : f32 to vector<16xf32>
    %max3A_1640 = arith.maximumf %div3A_1637, %max3A_1639 : vector<16xf32>
    %min3A_1641 = arith.constant 0.999899983 : f32
    %min3A_1642 = vector.broadcast %min3A_1641 : f32 to vector<16xf32>
    %min3A_1643 = arith.minimumf %max3A_1640, %min3A_1642 : vector<16xf32>
    %get3A_1644 = arith.constant 3 : i32
    %get3A_1645 = arith.index_cast %get3A_1644 : i32 to index
    %get3A_1646 = arith.constant 96 : index
    %get3A_1647 = tpu.vector_load %arg10[%get3A_1645, %get3A_1646] {strides = array<i32>} : memref<4x128xf32, #tpu.memory_space<vmem>>, vector<1x16xf32>,
    %get3A_1648 = vector.shape_cast %get3A_1647 : vector<1x16xf32> to vector<16xf32>
    %sub3A_1649 = arith.subf %min3A_1643, %get3A_1648 : vector<16xf32>
    %mul3A_1650 = arith.mulf %sub3A_1649, %convert_element_type3A_1627 : vector<16xf32>
    %mul3A_1651 = arith.mulf %mul3A_1650, %mul3A_1650 : vector<16xf32>
    %add3A_1652 = arith.addf %add3A_1616, %mul3A_1651 : vector<16xf32>
    %get3A_1653 = arith.constant 3 : i32
    %get3A_1654 = arith.index_cast %get3A_1653 : i32 to index
    %get3A_1655 = arith.constant 112 : index
    %get3A_1656 = tpu.vector_load %arg8[%get3A_1654, %get3A_1655] {strides = array<i32>} : memref<4x128xf32, #tpu.memory_space<vmem>>, vector<1x16xf32>,
    %get3A_1657 = vector.shape_cast %get3A_1656 : vector<1x16xf32> to vector<16xf32>
    %get3A_1658 = arith.constant 3 : i32
    %get3A_1659 = arith.index_cast %get3A_1658 : i32 to index
    %get3A_1660 = arith.constant 112 : index
    %get3A_1661 = tpu.vector_load %arg9[%get3A_1659, %get3A_1660] {strides = array<i32>} : memref<4x128xi32, #tpu.memory_space<vmem>>, vector<1x16xi32>,
    %get3A_1662 = vector.shape_cast %get3A_1661 : vector<1x16xi32> to vector<16xi32>
    %convert_element_type3A_1663 = arith.sitofp %get3A_1662 : vector<16xi32> to vector<16xf32>
    %neg3A_1664 = arith.constant 0.000000e+00 : f32
    %neg3A_1665 = vector.broadcast %neg3A_1664 : f32 to vector<16xf32>
    %neg3A_1666 = arith.subf %neg3A_1665, %get3A_1657 : vector<16xf32>
    %exp3A_1667 = math.exp %neg3A_1666 : vector<16xf32>
    %add3A_1668 = arith.constant 1.000000e+00 : f32
    %add3A_1669 = vector.broadcast %add3A_1668 : f32 to vector<16xf32>
    %add3A_1670 = arith.addf %add3A_1669, %exp3A_1667 : vector<16xf32>
    %div3A_1671 = arith.constant 1.000000e+00 : f32
    %div3A_1672 = vector.broadcast %div3A_1671 : f32 to vector<16xf32>
    %div3A_1673 = arith.divf %div3A_1672, %add3A_1670 : vector<16xf32>
    %max3A_1674 = arith.constant 9.99999974E-5 : f32
    %max3A_1675 = vector.broadcast %max3A_1674 : f32 to vector<16xf32>
    %max3A_1676 = arith.maximumf %div3A_1673, %max3A_1675 : vector<16xf32>
    %min3A_1677 = arith.constant 0.999899983 : f32
    %min3A_1678 = vector.broadcast %min3A_1677 : f32 to vector<16xf32>
    %min3A_1679 = arith.minimumf %max3A_1676, %min3A_1678 : vector<16xf32>
    %get3A_1680 = arith.constant 3 : i32
    %get3A_1681 = arith.index_cast %get3A_1680 : i32 to index
    %get3A_1682 = arith.constant 112 : index
    %get3A_1683 = tpu.vector_load %arg10[%get3A_1681, %get3A_1682] {strides = array<i32>} : memref<4x128xf32, #tpu.memory_space<vmem>>, vector<1x16xf32>,
    %get3A_1684 = vector.shape_cast %get3A_1683 : vector<1x16xf32> to vector<16xf32>
    %sub3A_1685 = arith.subf %min3A_1679, %get3A_1684 : vector<16xf32>
    %mul3A_1686 = arith.mulf %sub3A_1685, %convert_element_type3A_1663 : vector<16xf32>
    %mul3A_1687 = arith.mulf %mul3A_1686, %mul3A_1686 : vector<16xf32>
    %add3A_1688 = arith.addf %add3A_1652, %mul3A_1687 : vector<16xf32>
    %swap3A_1689 = arith.constant 0 : index
    %swap3A_1690 = tpu.vector_load %arg11[%swap3A_1689] {strides = array<i32>} : memref<16xf32, #tpu.memory_space<vmem>>, vector<16xf32>,
    %swap3A_1691 = vector.shape_cast %swap3A_1690 : vector<16xf32> to vector<16xf32>
    %swap3A_1692 = vector.shape_cast %add3A_1688 : vector<16xf32> to vector<16xf32>
    tpu.vector_store %arg11[%swap3A_1689], %swap3A_1692 {strides = array<i32>} : memref<16xf32, #tpu.memory_space<vmem>>, vector<16xf32>,
    "tpu.region"() ({
      %run_scoped3A = tpu.sem_alloc : memref<!tpu.dma_semaphore, #tpu.memory_space<semaphore_mem>>
      %dma_start3A_1696 = arith.constant 0 : i32
      %dma_start3A_1697 = tpu.memref_slice %arg6[%add3A, %dma_start3A_1696] : memref<34x16xf32, #tpu.memory_space<hbm>> -> memref<1x16xf32, #tpu.memory_space<hbm>>
      %dma_start3A_1698 = tpu.memref_squeeze %dma_start3A_1697 : memref<1x16xf32, #tpu.memory_space<hbm>> -> memref<16xf32, #tpu.memory_space<hbm>>
      %dma_start3A_1699 = arith.constant 0 : i32
      %dma_start3A_1700 = tpu.memref_slice %arg6[%add3A, %dma_start3A_1699] : memref<34x16xf32, #tpu.memory_space<hbm>> -> memref<1x16xf32, #tpu.memory_space<hbm>>
      %dma_start3A_1701 = tpu.memref_squeeze %dma_start3A_1700 : memref<1x16xf32, #tpu.memory_space<hbm>> -> memref<16xf32, #tpu.memory_space<hbm>>
      tpu.enqueue_dma source(%arg11 : memref<16xf32, #tpu.memory_space<vmem>>) target(%dma_start3A_1701 : memref<16xf32, #tpu.memory_space<hbm>>) target_semaphore(%run_scoped3A : memref<!tpu.dma_semaphore, #tpu.memory_space<semaphore_mem>>)
      %dma_wait3A_1702 = arith.constant 0 : i32
      %dma_wait3A_1703 = tpu.memref_slice %arg6[%add3A, %dma_wait3A_1702] : memref<34x16xf32, #tpu.memory_space<hbm>> -> memref<1x16xf32, #tpu.memory_space<hbm>>
      %dma_wait3A_1704 = tpu.memref_squeeze %dma_wait3A_1703 : memref<1x16xf32, #tpu.memory_space<hbm>> -> memref<16xf32, #tpu.memory_space<hbm>>
      %dma_wait3A_1705 = arith.constant 0 : i32
      %dma_wait3A_1706 = tpu.memref_slice %arg6[%add3A, %dma_wait3A_1705] : memref<34x16xf32, #tpu.memory_space<hbm>> -> memref<1x16xf32, #tpu.memory_space<hbm>>
      %dma_wait3A_1707 = tpu.memref_squeeze %dma_wait3A_1706 : memref<1x16xf32, #tpu.memory_space<hbm>> -> memref<16xf32, #tpu.memory_space<hbm>>
      tpu.wait_dma2 semaphore(%run_scoped3A : memref<!tpu.dma_semaphore, #tpu.memory_space<semaphore_mem>>) src(%arg11 : memref<16xf32, #tpu.memory_space<vmem>>) dst(%dma_wait3A_1707 : memref<16xf32, #tpu.memory_space<hbm>>)
      tpu.yield
    }) : () -> ()
    %barrier3A = arith.constant 0 : index
    tpu.barrier barrier_id(%barrier3A)
    %eq3A = arith.constant 0 : i32
    %eq3A_1693 = arith.cmpi eq, %arg1, %eq3A : i32
    %convert_element_type3A_1694 = arith.extui %eq3A_1693 : i1 to i32
    %cond3A = arith.constant 0 : i32
    %cond3A_1695 = arith.cmpi ne, %convert_element_type3A_1694, %cond3A : i32
    scf.if %cond3A_1695 {
      %mul3A_1696 = arith.constant 16 : i32
      %mul3A_1697 = arith.muli %arg0, %mul3A_1696 : i32
      "tpu.region"() ({
        %run_scoped3A = tpu.sem_alloc : memref<!tpu.dma_semaphore, #tpu.memory_space<semaphore_mem>>
        %dma_start3A_1834 = arith.constant 0 : i32
        %dma_start3A_1835 = tpu.memref_slice %arg6[%mul3A_1697, %dma_start3A_1834] : memref<34x16xf32, #tpu.memory_space<hbm>> -> memref<16x16xf32, #tpu.memory_space<hbm>>
        %dma_start3A_1836 = arith.constant 0 : i32
        %dma_start3A_1837 = tpu.memref_slice %arg6[%mul3A_1697, %dma_start3A_1836] : memref<34x16xf32, #tpu.memory_space<hbm>> -> memref<16x16xf32, #tpu.memory_space<hbm>>
        tpu.enqueue_dma source(%dma_start3A_1837 : memref<16x16xf32, #tpu.memory_space<hbm>>) target(%arg12 : memref<16x16xf32, #tpu.memory_space<vmem>>) target_semaphore(%run_scoped3A : memref<!tpu.dma_semaphore, #tpu.memory_space<semaphore_mem>>)
        %dma_wait3A_1838 = arith.constant 0 : i32
        %dma_wait3A_1839 = tpu.memref_slice %arg6[%mul3A_1697, %dma_wait3A_1838] : memref<34x16xf32, #tpu.memory_space<hbm>> -> memref<16x16xf32, #tpu.memory_space<hbm>>
        %dma_wait3A_1840 = arith.constant 0 : i32
        %dma_wait3A_1841 = tpu.memref_slice %arg6[%mul3A_1697, %dma_wait3A_1840] : memref<34x16xf32, #tpu.memory_space<hbm>> -> memref<16x16xf32, #tpu.memory_space<hbm>>
        tpu.wait_dma2 semaphore(%run_scoped3A : memref<!tpu.dma_semaphore, #tpu.memory_space<semaphore_mem>>) src(%dma_wait3A_1841 : memref<16x16xf32, #tpu.memory_space<hbm>>) dst(%arg12 : memref<16x16xf32, #tpu.memory_space<vmem>>)
        tpu.yield
      }) : () -> ()
      %broadcast_in_dim3A_1698 = arith.constant 0.000000e+00 : f32
      %broadcast_in_dim3A_1699 = vector.broadcast %broadcast_in_dim3A_1698 : f32 to vector<16xf32>
      %get3A_1700 = arith.constant 0 : i32
      %get3A_1701 = arith.index_cast %get3A_1700 : i32 to index
      %get3A_1702 = arith.constant 0 : index
      %get3A_1703 = tpu.vector_load %arg12[%get3A_1701, %get3A_1702] {strides = array<i32>} : memref<16x16xf32, #tpu.memory_space<vmem>>, vector<1x16xf32>,
      %get3A_1704 = vector.shape_cast %get3A_1703 : vector<1x16xf32> to vector<16xf32>
      %add3A_1705 = arith.addf %broadcast_in_dim3A_1699, %get3A_1704 : vector<16xf32>
      %get3A_1706 = arith.constant 1 : i32
      %get3A_1707 = arith.index_cast %get3A_1706 : i32 to index
      %get3A_1708 = arith.constant 0 : index
      %get3A_1709 = tpu.vector_load %arg12[%get3A_1707, %get3A_1708] {strides = array<i32>} : memref<16x16xf32, #tpu.memory_space<vmem>>, vector<1x16xf32>,
      %get3A_1710 = vector.shape_cast %get3A_1709 : vector<1x16xf32> to vector<16xf32>
      %add3A_1711 = arith.addf %add3A_1705, %get3A_1710 : vector<16xf32>
      %get3A_1712 = arith.constant 2 : i32
      %get3A_1713 = arith.index_cast %get3A_1712 : i32 to index
      %get3A_1714 = arith.constant 0 : index
      %get3A_1715 = tpu.vector_load %arg12[%get3A_1713, %get3A_1714] {strides = array<i32>} : memref<16x16xf32, #tpu.memory_space<vmem>>, vector<1x16xf32>,
      %get3A_1716 = vector.shape_cast %get3A_1715 : vector<1x16xf32> to vector<16xf32>
      %add3A_1717 = arith.addf %add3A_1711, %get3A_1716 : vector<16xf32>
      %get3A_1718 = arith.constant 3 : i32
      %get3A_1719 = arith.index_cast %get3A_1718 : i32 to index
      %get3A_1720 = arith.constant 0 : index
      %get3A_1721 = tpu.vector_load %arg12[%get3A_1719, %get3A_1720] {strides = array<i32>} : memref<16x16xf32, #tpu.memory_space<vmem>>, vector<1x16xf32>,
      %get3A_1722 = vector.shape_cast %get3A_1721 : vector<1x16xf32> to vector<16xf32>
      %add3A_1723 = arith.addf %add3A_1717, %get3A_1722 : vector<16xf32>
      %get3A_1724 = arith.constant 4 : i32
      %get3A_1725 = arith.index_cast %get3A_1724 : i32 to index
      %get3A_1726 = arith.constant 0 : index
      %get3A_1727 = tpu.vector_load %arg12[%get3A_1725, %get3A_1726] {strides = array<i32>} : memref<16x16xf32, #tpu.memory_space<vmem>>, vector<1x16xf32>,
      %get3A_1728 = vector.shape_cast %get3A_1727 : vector<1x16xf32> to vector<16xf32>
      %add3A_1729 = arith.addf %add3A_1723, %get3A_1728 : vector<16xf32>
      %get3A_1730 = arith.constant 5 : i32
      %get3A_1731 = arith.index_cast %get3A_1730 : i32 to index
      %get3A_1732 = arith.constant 0 : index
      %get3A_1733 = tpu.vector_load %arg12[%get3A_1731, %get3A_1732] {strides = array<i32>} : memref<16x16xf32, #tpu.memory_space<vmem>>, vector<1x16xf32>,
      %get3A_1734 = vector.shape_cast %get3A_1733 : vector<1x16xf32> to vector<16xf32>
      %add3A_1735 = arith.addf %add3A_1729, %get3A_1734 : vector<16xf32>
      %get3A_1736 = arith.constant 6 : i32
      %get3A_1737 = arith.index_cast %get3A_1736 : i32 to index
      %get3A_1738 = arith.constant 0 : index
      %get3A_1739 = tpu.vector_load %arg12[%get3A_1737, %get3A_1738] {strides = array<i32>} : memref<16x16xf32, #tpu.memory_space<vmem>>, vector<1x16xf32>,
      %get3A_1740 = vector.shape_cast %get3A_1739 : vector<1x16xf32> to vector<16xf32>
      %add3A_1741 = arith.addf %add3A_1735, %get3A_1740 : vector<16xf32>
      %get3A_1742 = arith.constant 7 : i32
      %get3A_1743 = arith.index_cast %get3A_1742 : i32 to index
      %get3A_1744 = arith.constant 0 : index
      %get3A_1745 = tpu.vector_load %arg12[%get3A_1743, %get3A_1744] {strides = array<i32>} : memref<16x16xf32, #tpu.memory_space<vmem>>, vector<1x16xf32>,
      %get3A_1746 = vector.shape_cast %get3A_1745 : vector<1x16xf32> to vector<16xf32>
      %add3A_1747 = arith.addf %add3A_1741, %get3A_1746 : vector<16xf32>
      %get3A_1748 = arith.constant 8 : i32
      %get3A_1749 = arith.index_cast %get3A_1748 : i32 to index
      %get3A_1750 = arith.constant 0 : index
      %get3A_1751 = tpu.vector_load %arg12[%get3A_1749, %get3A_1750] {strides = array<i32>} : memref<16x16xf32, #tpu.memory_space<vmem>>, vector<1x16xf32>,
      %get3A_1752 = vector.shape_cast %get3A_1751 : vector<1x16xf32> to vector<16xf32>
      %add3A_1753 = arith.addf %add3A_1747, %get3A_1752 : vector<16xf32>
      %get3A_1754 = arith.constant 9 : i32
      %get3A_1755 = arith.index_cast %get3A_1754 : i32 to index
      %get3A_1756 = arith.constant 0 : index
      %get3A_1757 = tpu.vector_load %arg12[%get3A_1755, %get3A_1756] {strides = array<i32>} : memref<16x16xf32, #tpu.memory_space<vmem>>, vector<1x16xf32>,
      %get3A_1758 = vector.shape_cast %get3A_1757 : vector<1x16xf32> to vector<16xf32>
      %add3A_1759 = arith.addf %add3A_1753, %get3A_1758 : vector<16xf32>
      %get3A_1760 = arith.constant 10 : i32
      %get3A_1761 = arith.index_cast %get3A_1760 : i32 to index
      %get3A_1762 = arith.constant 0 : index
      %get3A_1763 = tpu.vector_load %arg12[%get3A_1761, %get3A_1762] {strides = array<i32>} : memref<16x16xf32, #tpu.memory_space<vmem>>, vector<1x16xf32>,
      %get3A_1764 = vector.shape_cast %get3A_1763 : vector<1x16xf32> to vector<16xf32>
      %add3A_1765 = arith.addf %add3A_1759, %get3A_1764 : vector<16xf32>
      %get3A_1766 = arith.constant 11 : i32
      %get3A_1767 = arith.index_cast %get3A_1766 : i32 to index
      %get3A_1768 = arith.constant 0 : index
      %get3A_1769 = tpu.vector_load %arg12[%get3A_1767, %get3A_1768] {strides = array<i32>} : memref<16x16xf32, #tpu.memory_space<vmem>>, vector<1x16xf32>,
      %get3A_1770 = vector.shape_cast %get3A_1769 : vector<1x16xf32> to vector<16xf32>
      %add3A_1771 = arith.addf %add3A_1765, %get3A_1770 : vector<16xf32>
      %get3A_1772 = arith.constant 12 : i32
      %get3A_1773 = arith.index_cast %get3A_1772 : i32 to index
      %get3A_1774 = arith.constant 0 : index
      %get3A_1775 = tpu.vector_load %arg12[%get3A_1773, %get3A_1774] {strides = array<i32>} : memref<16x16xf32, #tpu.memory_space<vmem>>, vector<1x16xf32>,
      %get3A_1776 = vector.shape_cast %get3A_1775 : vector<1x16xf32> to vector<16xf32>
      %add3A_1777 = arith.addf %add3A_1771, %get3A_1776 : vector<16xf32>
      %get3A_1778 = arith.constant 13 : i32
      %get3A_1779 = arith.index_cast %get3A_1778 : i32 to index
      %get3A_1780 = arith.constant 0 : index
      %get3A_1781 = tpu.vector_load %arg12[%get3A_1779, %get3A_1780] {strides = array<i32>} : memref<16x16xf32, #tpu.memory_space<vmem>>, vector<1x16xf32>,
      %get3A_1782 = vector.shape_cast %get3A_1781 : vector<1x16xf32> to vector<16xf32>
      %add3A_1783 = arith.addf %add3A_1777, %get3A_1782 : vector<16xf32>
      %get3A_1784 = arith.constant 14 : i32
      %get3A_1785 = arith.index_cast %get3A_1784 : i32 to index
      %get3A_1786 = arith.constant 0 : index
      %get3A_1787 = tpu.vector_load %arg12[%get3A_1785, %get3A_1786] {strides = array<i32>} : memref<16x16xf32, #tpu.memory_space<vmem>>, vector<1x16xf32>,
      %get3A_1788 = vector.shape_cast %get3A_1787 : vector<1x16xf32> to vector<16xf32>
      %add3A_1789 = arith.addf %add3A_1783, %get3A_1788 : vector<16xf32>
      %get3A_1790 = arith.constant 15 : i32
      %get3A_1791 = arith.index_cast %get3A_1790 : i32 to index
      %get3A_1792 = arith.constant 0 : index
      %get3A_1793 = tpu.vector_load %arg12[%get3A_1791, %get3A_1792] {strides = array<i32>} : memref<16x16xf32, #tpu.memory_space<vmem>>, vector<1x16xf32>,
      %get3A_1794 = vector.shape_cast %get3A_1793 : vector<1x16xf32> to vector<16xf32>
      %add3A_1795 = arith.addf %add3A_1789, %get3A_1794 : vector<16xf32>
      %iota3A = tpu.iota {dimensions = array<i32: 0>} : vector<16xi32>
      %xor3A = arith.constant 8 : i32
      %xor3A_1796 = vector.broadcast %xor3A : i32 to vector<16xi32>
      %xor3A_1797 = arith.xori %iota3A, %xor3A_1796 : vector<16xi32>
      %broadcast_in_dim3A_1798 = vector.shape_cast %xor3A_1797 : vector<16xi32> to vector<16x1xi32>
      %gather3A = vector.shape_cast %broadcast_in_dim3A_1798 : vector<16x1xi32> to vector<16xi32>
      %gather3A_1799 = tpu.dynamic_gather %add3A_1795[%gather3A] in [0] : vector<16xf32>, vector<16xi32> -> vector<16xf32>
      %add3A_1800 = arith.addf %add3A_1795, %gather3A_1799 : vector<16xf32>
      %iota3A_1801 = tpu.iota {dimensions = array<i32: 0>} : vector<16xi32>
      %xor3A_1802 = arith.constant 4 : i32
      %xor3A_1803 = vector.broadcast %xor3A_1802 : i32 to vector<16xi32>
      %xor3A_1804 = arith.xori %iota3A_1801, %xor3A_1803 : vector<16xi32>
      %broadcast_in_dim3A_1805 = vector.shape_cast %xor3A_1804 : vector<16xi32> to vector<16x1xi32>
      %gather3A_1806 = vector.shape_cast %broadcast_in_dim3A_1805 : vector<16x1xi32> to vector<16xi32>
      %gather3A_1807 = tpu.dynamic_gather %add3A_1800[%gather3A_1806] in [0] : vector<16xf32>, vector<16xi32> -> vector<16xf32>
      %add3A_1808 = arith.addf %add3A_1800, %gather3A_1807 : vector<16xf32>
      %iota3A_1809 = tpu.iota {dimensions = array<i32: 0>} : vector<16xi32>
      %xor3A_1810 = arith.constant 2 : i32
      %xor3A_1811 = vector.broadcast %xor3A_1810 : i32 to vector<16xi32>
      %xor3A_1812 = arith.xori %iota3A_1809, %xor3A_1811 : vector<16xi32>
      %broadcast_in_dim3A_1813 = vector.shape_cast %xor3A_1812 : vector<16xi32> to vector<16x1xi32>
      %gather3A_1814 = vector.shape_cast %broadcast_in_dim3A_1813 : vector<16x1xi32> to vector<16xi32>
      %gather3A_1815 = tpu.dynamic_gather %add3A_1808[%gather3A_1814] in [0] : vector<16xf32>, vector<16xi32> -> vector<16xf32>
      %add3A_1816 = arith.addf %add3A_1808, %gather3A_1815 : vector<16xf32>
      %iota3A_1817 = tpu.iota {dimensions = array<i32: 0>} : vector<16xi32>
      %xor3A_1818 = arith.constant 1 : i32
      %xor3A_1819 = vector.broadcast %xor3A_1818 : i32 to vector<16xi32>
      %xor3A_1820 = arith.xori %iota3A_1817, %xor3A_1819 : vector<16xi32>
      %broadcast_in_dim3A_1821 = vector.shape_cast %xor3A_1820 : vector<16xi32> to vector<16x1xi32>
      %gather3A_1822 = vector.shape_cast %broadcast_in_dim3A_1821 : vector<16x1xi32> to vector<16xi32>
      %gather3A_1823 = tpu.dynamic_gather %add3A_1816[%gather3A_1822] in [0] : vector<16xf32>, vector<16xi32> -> vector<16xf32>
      %add3A_1824 = arith.addf %add3A_1816, %gather3A_1823 : vector<16xf32>
      %mul3A_1825 = arith.constant 6.250000e-05 : f32
      %mul3A_1826 = vector.broadcast %mul3A_1825 : f32 to vector<16xf32>
      %mul3A_1827 = arith.mulf %add3A_1824, %mul3A_1826 : vector<16xf32>
      %swap3A_1828 = arith.constant 0 : index
      %swap3A_1829 = tpu.vector_load %arg11[%swap3A_1828] {strides = array<i32>} : memref<16xf32, #tpu.memory_space<vmem>>, vector<16xf32>,
      %swap3A_1830 = vector.shape_cast %swap3A_1829 : vector<16xf32> to vector<16xf32>
      %swap3A_1831 = vector.shape_cast %mul3A_1827 : vector<16xf32> to vector<16xf32>
      tpu.vector_store %arg11[%swap3A_1828], %swap3A_1831 {strides = array<i32>} : memref<16xf32, #tpu.memory_space<vmem>>, vector<16xf32>,
      %add3A_1832 = arith.constant 32 : i32
      %add3A_1833 = arith.addi %add3A_1832, %arg0 : i32
      "tpu.region"() ({
        %run_scoped3A = tpu.sem_alloc : memref<!tpu.dma_semaphore, #tpu.memory_space<semaphore_mem>>
        %dma_start3A_1834 = arith.constant 0 : i32
        %dma_start3A_1835 = tpu.memref_slice %arg6[%add3A_1833, %dma_start3A_1834] : memref<34x16xf32, #tpu.memory_space<hbm>> -> memref<1x16xf32, #tpu.memory_space<hbm>>
        %dma_start3A_1836 = tpu.memref_squeeze %dma_start3A_1835 : memref<1x16xf32, #tpu.memory_space<hbm>> -> memref<16xf32, #tpu.memory_space<hbm>>
        %dma_start3A_1837 = arith.constant 0 : i32
        %dma_start3A_1838 = tpu.memref_slice %arg6[%add3A_1833, %dma_start3A_1837] : memref<34x16xf32, #tpu.memory_space<hbm>> -> memref<1x16xf32, #tpu.memory_space<hbm>>
        %dma_start3A_1839 = tpu.memref_squeeze %dma_start3A_1838 : memref<1x16xf32, #tpu.memory_space<hbm>> -> memref<16xf32, #tpu.memory_space<hbm>>
        tpu.enqueue_dma source(%arg11 : memref<16xf32, #tpu.memory_space<vmem>>) target(%dma_start3A_1839 : memref<16xf32, #tpu.memory_space<hbm>>) target_semaphore(%run_scoped3A : memref<!tpu.dma_semaphore, #tpu.memory_space<semaphore_mem>>)
        %dma_wait3A_1840 = arith.constant 0 : i32
        %dma_wait3A_1841 = tpu.memref_slice %arg6[%add3A_1833, %dma_wait3A_1840] : memref<34x16xf32, #tpu.memory_space<hbm>> -> memref<1x16xf32, #tpu.memory_space<hbm>>
        %dma_wait3A_1842 = tpu.memref_squeeze %dma_wait3A_1841 : memref<1x16xf32, #tpu.memory_space<hbm>> -> memref<16xf32, #tpu.memory_space<hbm>>
        %dma_wait3A_1843 = arith.constant 0 : i32
        %dma_wait3A_1844 = tpu.memref_slice %arg6[%add3A_1833, %dma_wait3A_1843] : memref<34x16xf32, #tpu.memory_space<hbm>> -> memref<1x16xf32, #tpu.memory_space<hbm>>
        %dma_wait3A_1845 = tpu.memref_squeeze %dma_wait3A_1844 : memref<1x16xf32, #tpu.memory_space<hbm>> -> memref<16xf32, #tpu.memory_space<hbm>>
        tpu.wait_dma2 semaphore(%run_scoped3A : memref<!tpu.dma_semaphore, #tpu.memory_space<semaphore_mem>>) src(%arg11 : memref<16xf32, #tpu.memory_space<vmem>>) dst(%dma_wait3A_1845 : memref<16xf32, #tpu.memory_space<hbm>>)
        tpu.yield
      }) : () -> ()
    } else {
    }
    return
  }
}

</mosaic_0001>

<sc_bundles>
// kernel: _run.3.cloned.1.call-start
scs
__scs_entry_jumppad:
0x0: {  	(pc) =	sbr.rel $0x88, $3  }
0x1: {  	(tag) =	ssettag $0x0;
	lr =	simm.s32 $0x1  }
0x2: {  	[smem:$0x3F9D] =	sst lr;
	_ =	strace $0xD0000000  }
0x3: {  	_ = 	snop  }
0x4: {  	_ = 	snop  }
0x5: {  	_ = 	snop  }
0x6: {  	_ = 	snop  }
0x7: {  	_ = 	snop  }
__scs_overlays_trampoline_lowered:
0x8: {  	[smem:$0x3FAC] =	sst s0  }
0x9: {  	[smem:$0x3FAD] =	sst s1  }
0xa: {  	[smem:$0x3FAE] =	sst s2  }
0xb: {  	[smem:$0x3FAF] =	sst s3  }
0xc: {  	[smem:$0x3FB0] =	sst s4  }
0xd: {  	[smem:$0x3FB1] =	sst s5  }
0xe: {  	[smem:$0x3FB2] =	sst s6  }
0xf: {  	[smem:$0x3FB3] =	sst s7  }
0x10: {  	[smem:$0x3FB4] =	sst s8  }
0x11: {  	[smem:$0x3FB5] =	sst s9;
	s0 =	simm.s32 @!p0 $0x0  }
0x12: {  	s1 =	sld [smem:$0x3F9B];
	s0 =	simm.s32 @p0 $0x1  }
0x13: {  	[smem:$0x3FB6] =	sst s0;
	s0 =	simm.s32 @!p1 $0x0  }
0x14: {  	s2 =	sld [smem:$0x3F9A];
	s0 =	simm.s32 @p1 $0x1  }
0x15: {  	[smem:$0x3FB7] =	sst s0;
	s0 =	simm.s32 @!p2 $0x0  }
0x16: {  	s3 =	sld [smem:$0x3FDB];
	s0 =	simm.s32 @p2 $0x1  }
0x17: {  	s4 =	simm.s32 $0x1BF5;
	[smem:$0x3FB9] =	sst s0  }
0x18: {  	s0 =	sld [smem:$0x3F9C];
	_ =	swait.ge [sflag:s4], $0x0  }
0x19: {  	s7 =	sld [smem:$0x3F9D]  }
0x1a: {  	s8 =	sadd.s32 $0xFFFFE003, lr  }
0x1b: {  	s9 =	sadd.s32 $0xFFFFFEF7, lr;
	s5 =	simm.s32 $0xFFFFFFFF;
	p2 =	slt.u32 s8, $0xFFFFF086  }
0x1c: {  	p1 =	slt.u32 s9, $0xF7A;
	s5 =	simm.s32 @!p2 $0x0  }
0x1d: {  	s5 =	simm.s32 @p1 $0x1;
	p0 =	seq.s32 s7, s2  }
0x1e: {  	s7 =	smul.u32 @!p0 $0xF7A, s2;
	p2 =	seq.s32 @!p0 s5, $0x0  }
0x1f: {  	s9 =	smul.u32 $0xF7A, s1;
	s8 =	simm.s32 @!p0 $0x1BF5;
	p2 =	por !p2, p0  }
0x20: {  	[sflag:s8] =	ssyncset.s32 @!p0 $0xFFFFF086;
	s6 =	sadd.s32 @!p0 s3, s7;
	s7 =	simm.s32 @!p0 $0x108  }
0x21: {  	s3 =	sadd.s32 s3, s9;
	s6 =	sadd.s32 @!p0 $0x88, s6;
	s7 =	simm.s32 @p2 $0x1082  }
0x22: {  	[simem:s7], [sflag:s8] =	dma.local @!p0 [hbm:s6], $0xF7A  }
0x23: {  	s9 =	sor.u32 $0xD0000000, s2;
	s6 =	simm.s32 $0x108;
	_ =	swait.ge @!p0 [sflag:s8], $0x0  }
0x24: {  	s3 =	sadd.s32 $0x88, s3;
	s6 =	simm.s32 @!p1 $0x1082;
	[sflag:s4] =	ssyncset.s32 $0xFFFFF086  }
0x25: {  	[simem:s6], [sflag:s4] =	dma.local [hbm:s3], $0xF7A  }
0x26: {  	[smem:$0x3F9D] =	sst s1;
	(tag) =	ssettag s2;
	_ =	strace s9  }
0x27: {  	s1 =	sld [smem:$0x3FAD]  }
0x28: {  	s2 =	sld [smem:$0x3FAE]  }
0x29: {  	s4 =	sld [smem:$0x3FB0]  }
0x2a: {  	p0 =	seq.s32 s5, $0x0;
	s5 =	sld [smem:$0x3FB1]  }
0x2b: {  	s6 =	sld [smem:$0x3FB2]  }
0x2c: {  	s7 =	sld [smem:$0x3FB3]  }
0x2d: {  	s3 =	simm.s32 $0x108;
	s8 =	sld [smem:$0x3FB4]  }
0x2e: {  	s3 =	simm.s32 @!p0 $0x1082;
	s9 =	sld [smem:$0x3FB5]  }
0x2f: {  	lr =	sadd.s32 s0, s3;
	s0 =	sld [smem:$0x3FAC]  }
0x30: {  	s3 =	sld [smem:$0x3FAF]  }
0x31: {  	[smem:$0x3FB8] =	sst s10  }
0x32: {  	s10 =	sld [smem:$0x3FB6];
	_ =	sdelay $0x3  }
0x33: {  	p0 =	seq.s32 s10, $0x1;
	s10 =	sld [smem:$0x3FB8];
	_ =	sdelay $0x3  }
0x34: {  	[smem:$0x3FB8] =	sst s10  }
0x35: {  	s10 =	sld [smem:$0x3FB7];
	_ =	sdelay $0x3  }
0x36: {  	p1 =	seq.s32 s10, $0x1;
	s10 =	sld [smem:$0x3FB8];
	_ =	sdelay $0x3  }
0x37: {  	[smem:$0x3FB8] =	sst s10  }
0x38: {  	s10 =	sld [smem:$0x3FB9]  }
0x39: {  	_ = 	snop;
	(pc) =	sbr.ind lr, $3  }
0x3a: {  	_ = 	snop  }
0x3b: {  	_ = 	snop  }
0x3c: {  	p2 =	seq.s32 s10, $0x1;
	s10 =	sld [smem:$0x3FB8]  }
0x3d: {  	_ =	shalt  }
0x3e: {  	_ =	shalt  }
0x3f: {  	_ =	shalt  }
0x40: {  	_ =	shalt  }
0x41: {  	_ =	shalt  }
0x42: {  	_ =	shalt  }
0x43: {  	_ =	shalt  }
0x44: {  	_ =	shalt  }
0x45: {  	_ =	shalt  }
0x46: {  	_ =	shalt  }
0x47: {  	_ =	shalt  }
0x48: {  	_ =	shalt  }
0x49: {  	_ =	shalt  }
0x4a: {  	_ =	shalt  }
0x4b: {  	_ =	shalt  }
0x4c: {  	_ =	shalt  }
0x4d: {  	_ =	shalt  }
0x4e: {  	_ =	shalt  }
0x4f: {  	_ =	shalt  }
0x50: {  	_ =	shalt  }
0x51: {  	_ =	shalt  }
0x52: {  	_ =	shalt  }
0x53: {  	_ =	shalt  }
0x54: {  	_ =	shalt  }
0x55: {  	_ =	shalt  }
0x56: {  	_ =	shalt  }
0x57: {  	_ =	shalt  }
0x58: {  	_ =	shalt  }
0x59: {  	_ =	shalt  }
0x5a: {  	_ =	shalt  }
0x5b: {  	_ =	shalt  }
0x5c: {  	_ =	shalt  }
0x5d: {  	_ =	shalt  }
0x5e: {  	_ =	shalt  }
0x5f: {  	_ =	shalt  }
0x60: {  	_ =	shalt  }
0x61: {  	_ =	shalt  }
0x62: {  	_ =	shalt  }
0x63: {  	_ =	shalt  }
0x64: {  	_ =	shalt  }
0x65: {  	_ =	shalt  }
0x66: {  	_ =	shalt  }
0x67: {  	_ =	shalt  }
0x68: {  	_ =	shalt  }
0x69: {  	_ =	shalt  }
0x6a: {  	_ =	shalt  }
0x6b: {  	_ =	shalt  }
0x6c: {  	_ =	shalt  }
0x6d: {  	_ =	shalt  }
0x6e: {  	_ =	shalt  }
0x6f: {  	_ =	shalt  }
0x70: {  	_ =	shalt  }
0x71: {  	_ =	shalt  }
0x72: {  	_ =	shalt  }
0x73: {  	_ =	shalt  }
0x74: {  	_ =	shalt  }
0x75: {  	_ =	shalt  }
0x76: {  	_ =	shalt  }
0x77: {  	_ =	shalt  }
0x78: {  	_ =	shalt  }
0x79: {  	_ =	shalt  }
0x7a: {  	_ =	shalt  }
0x7b: {  	_ =	shalt  }
0x7c: {  	_ =	shalt  }
0x7d: {  	_ =	shalt  }
0x7e: {  	_ =	shalt  }
0x7f: {  	_ =	shalt  }
0x80: {  	_ =	shalt  }
0x81: {  	_ =	shalt  }
0x82: {  	_ =	shalt  }
0x83: {  	_ =	shalt  }
0x84: {  	_ =	shalt  }
0x85: {  	_ =	shalt  }
0x86: {  	_ =	shalt  }
0x87: {  	_ =	shalt  }
.Lfunc_end0:
.L_simem_size_0:
called_computation_lowered:
.L_overlay_start_0:
0x88: {  	s2 =	sld [smem:$0x3FD9]  }
0x89: {  	s3 =	sld [smem:$0x3FFE];
	_ =	sdelay $0x1  }
0x8a: {  	s1 =	srdreg.scid  }
0x8b: {  	s0 =	sand.u32 $0x1, s1  }
0x8c: {  	s17 =	sshll.u32 s0, $0xA;
	s2 =	sadd.s32 s3, s2  }
0x8d: {  	s2 =	sadd.s32 s2, s17  }
0x8e: {  	[smem:$0x3FC4] =	sst s2  }
0x8f: {  	_ = 	snop  }
0x90: {  	s2 =	sld [smem:$0x3FC9]  }
0x91: {  	s18 =	sld [smem:$0x3FC8]  }
0x92: {  	s4 =	sld [smem:$0x3FC7]  }
0x93: {  	s5 =	sld [smem:$0x3FC6];
	(tm) =	ssettm $0x1  }
0x94: {  	s6 =	sld [smem:$0x3FFB];
	_ =	sdelay $0x3  }
0x95: {  	_ =	strace s6  }
0x96: {  	s6 =	sld [smem:$0x3FFC];
	_ =	sdelay $0x3  }
0x97: {  	_ =	strace s6  }
0x98: {  	s6 =	sld [smem:$0x3FFD];
	_ =	sdelay $0x3  }
0x99: {  	_ =	strace s6  }
0x9a: {  	_ =	strace $0x8FFFFFFF  }
0x9b: {  	s19 =	sld [smem:$0x3FDB];
	_ =	sdelay $0x1  }
0x9c: {  	s7 =	simm.s32 $_scs_section_size  }
0x9d: {  	s8 =	simm.s32 $_size__tile_overlayer_lowered;
	s9 =	simm.s32 $_tile_overlayer_lowered  }
0x9e: {  	s22 =	simm.s32 $0x1BFF;
	s21 =	sshll.u32 s9, $0x1;
	s6 =	sadd.s32 s7, s19  }
0x9f: {  	s10 =	simm.s32 $0x0;
	s20 =	sshll.u32 s8, $0x1;
	s8 =	sadd.s32 s21, s6  }
0xa0: {  	[timem:s10], [sflag:s22] =	dma.local [hbm:s8], s20  }
0xa1: {  	_ =	swait.ge [sflag:s22], s20  }
0xa2: {  	s7 =	ssub.s32 $0x0, s20;
	[sflag:s22] =	ssyncset.done $0x0  }
0xa3: {  	[sflag:s22] =	ssyncadd.s32 s7;
	_ =	sdelay $0x1  }
0xa4: {  	s23 =	simm.s32 $0x1B8B  }
0xa5: {  	_ =	swait.ge [sflag:s23], $0x1  }
0xa6: {  	[sflag:s23] =	ssyncset.done $0x0  }
0xa7: {  	s25 =	simm.s32 $0x1B8E;
	s24 =	sld [smem:$0x3FFE];
	[sflag:s23] =	ssyncadd.s32 $0xFFFFFFFF  }
0xa8: {  	s26 =	simm.s32 $execute0_lowered;
	[smem:$0x3FD2] =	sst s25  }
0xa9: {  	s8 =	sshll.u32 s26, $0x1;
	_ =	strace $0x80000046;
	[dreg:$0x1] =	wrdreg $0xFFFFFFFF  }
0xaa: {  	s28 =	simm.s32 $_size_execute0_lowered;
	s6 =	sadd.s32 s6, s8;
	[dreg:$0x0] =	wrdreg $0x0  }
0xab: {  	s8 =	sshll.u32 s28, $0x1;
	[dreg:$0x2] =	wrdreg s6  }
0xac: {  	[dreg:$0x3] =	wrdreg s8  }
0xad: {  	[dreg:$0x4] =	wrdreg $0xC0  }
0xae: {  	_ =	task [dreg:s10], $0x5FFFF  }
0xaf: {  	[dreg:$0x1] =	wrdreg $0xFFFFFFFF  }
0xb0: {  	[dreg:$0x0] =	wrdreg $0x60  }
0xb1: {  	[dreg:$0x2] =	wrdreg s2  }
0xb2: {  	[dreg:$0x3] =	wrdreg s18  }
0xb3: {  	[dreg:$0x4] =	wrdreg s4  }
0xb4: {  	[dreg:$0x5] =	wrdreg s5  }
0xb5: {  	[dreg:$0x6] =	wrdreg s24  }
0xb6: {  	[dreg:$0x7] =	wrdreg $0x9  }
0xb7: {  	_ =	task.clear_ibuf [dreg:s10], $0x8FFFF;
	_ =	strace $0x90000046  }
0xb8: {  	s29 =	simm.s32 $0x9;
	_ =	strace $0x80000048  }
0xb9: {  	_ =	swait.ge [sflag:s29], $0x1  }
0xba: {  	[sflag:s29] =	ssyncadd.s32 $0xFFFFFFFF  }
0xbb: {  	_ =	strace $0x90000048  }
0xbc: {  	_ =	sfence  }
0xbd: {  	s30 =	sld [smem:$0x0];
	_ =	sdelay $0x2  }
0xbe: {  	s31 =	sshll.u32 s1, $0xD;
	s1 =	sshrl.u32 s1, $0x2  }
0xbf: {  	s3 =	sand.u32 $0x4000, s31;
	s1 =	sadd.s32 s1, s30  }
0xc0: {  	s0 =	sor.u32 s3, s0;
	s1 =	sshll.u32 s1, $0x11  }
0xc1: {  	s0 =	sor.u32 s1, s0  }
0xc2: {  	s0 =	sadd.s32 $0x8F2B, s0  }
0xc3: {  	[sflag:s0] =	ssyncadd.remote.s32 $0x1  }
0xc4: {  	_ =	sfence.sel $0xFFFF  }
0xc5: {  	[dreg:$0x0] =	wrdreg $0xFFFFFFFF;
	(pc) =	sbr.abs _section_cstart, $3  }
0xc6: {  	[dreg:$0x1] =	wrdreg $0xFFFFFFFF  }
0xc7: {  	_ =	task.clear_ibuf [dreg:s10], $0x2FFFF;
	_ =	strace $0x9FFFFFFF  }
0xc8: {  	(tm) =	ssettm $0x7FFFFFFF  }
0xc9: {  	_ =	shalt  }
tec
execute0_lowered:
.L_overlay_start_1:
0x0: {  	(tag) =	ssettag $0x1  }
0x1: {  	s0 =	rddreg [dreg:$0x0]  }
0x2: {  	s3 =	rddreg [dreg:$0x1]  }
0x3: {  	s4 =	rddreg [dreg:$0x2]  }
0x4: {  	s5 =	rddreg [dreg:$0x3]  }
0x5: {  	s6 =	rddreg [dreg:$0x4];
	s2 =	srdreg.scid  }
0x6: {  	s1 =	rddreg [dreg:$0x5];
	s10 =	stileid.u32  }
0x7: {  	s15 =	simm.s32 $0x280;
	s16 =	simm.s32 $0x100;
	s17 =	simm.s32 $0x300  }
0x8: {  	s18 =	simm.s32 $0x180;
	s19 =	simm.s32 $0x380;
	s20 =	simm.s32 $0x2  }
0x9: {  	s21 =	simm.s32 $0x3;
	s23 =	simm.s32 $0x4;
	s24 =	simm.s32 $0x880  }
0xa: {  	v0 =	vimm.s32 $0xFEDCBA98;
	v1 =	vimm.s32 $0x76543210;
	s7 =	sand.u32 $0x1, s2;
	s2 =	simm.s32 $0x0;
	s14 =	sadd.s32 $0x400, s6  }
0xb: {  	v2 =	vimm.s32 $0xBA98FEDC;
	v3 =	vimm.s32 $0x32107654;
	v4 =	vimm.s32 $0xDCFE98BA;
	s29 =	sshll.u32 s10, $0x4;
	p0 =	sne.s32 s10, $0x0;
	s8 =	sshll.u32 s7, $0x4  }
0xc: {  	v5 =	vimm.s32 $0x54761032;
	v6 =	vimm.s32 $0xEFCDAB89;
	[smem:$0x7FF] =	sst s2;
	s9 =	ssub.s32 $0x2, s7;
	s31 =	sshll.u32 s7, $0x8  }
0xd: {  	v7 =	vimm.s32 $0x67452301;
	v0 =	vunpack.c.l.s4.s8 v0;
	v1 =	vunpack.c.l.s4.s8 v1;
	s11 =	sor.u32 s10, s8;
	_ =	strace $0x80000047;
	s12 =	sshrl.u32 s9, $0x1  }
0xe: {  	v2 =	vunpack.c.l.s4.s8 v2;
	v3 =	vunpack.c.l.s4.s8 v3;
	v4 =	vunpack.c.l.s4.s8 v4;
	s8 =	sadd.s32 s8, s14;
	s10 =	simm.s32 $0x400;
	s13 =	sshll.u32 s11, $0x6  }
0xf: {  	v5 =	vunpack.c.l.s4.s8 v5;
	v6 =	vunpack.c.l.s4.s8 v6;
	v7 =	vunpack.c.l.s4.s8 v7;
	s9 =	ssub.s32 s9, s12;
	s28 =	sshll.u32 s11, $0x4;
	s12 =	sand.u32 $0x70, s29  }
0x10: {  	v0 =	vunpack.c.0.s8.s32 v0;
	v1 =	vunpack.c.0.s8.s32 v1;
	v2 =	vunpack.c.0.s8.s32 v2;
	s22 =	sshll.u32 s11, $0x10;
	s7 =	sadd.s32 $0x200, s8;
	s8 =	sadd.s32 s14, s31  }
0x11: {  	v3 =	vunpack.c.0.s8.s32 v3;
	v4 =	vunpack.c.0.s8.s32 v4;
	v5 =	vunpack.c.0.s8.s32 v5;
	s11 =	simm.s32 $0x600;
	s3 =	sadd.s32 s3, s13;
	s4 =	sadd.s32 s4, s13  }
0x12: {  	v6 =	vunpack.c.0.s8.s32 v6;
	v7 =	vunpack.c.0.s8.s32 v7;
	s5 =	sadd.s32 s5, s13;
	s6 =	sand.u32 $0x180, s28;
	v0 =	vand.u32 $0xF, v0;
	s30 =	sadd.s32 s14, s12  }
0x13: {  	s9 =	smax.u32 s9, $0x1;
	s12 =	simm.s32 $0x1;
	s13 =	simm.s32 $0x80;
	v0 =	vcombine.low v0, v1;
	v1 =	vcombine.low v3, v2  }
0x14: {  	s14 =	simm.s32 $0x200;
	s6 =	sadd.s32 s6, s30;
	v2 =	vcombine.low v5, v4;
	v3 =	vmov s22;
	s22 =	simm.s32 $0x800;
	v4 =	vcombine.low v7, v6  }
.LBB2_1:
0x15: {  	[tilespmem:s2], [sflag:$0x1] =	stream.linear.gather [hbm4b:s3+s2], $0x200, $0x38;
	[tilespmem:$0x1080] =	vst v63  }
0x16: {  	_ = 	snop  }
0x17: {  	[tilespmem:s10], [sflag:$0x2] =	stream.linear.gather [hbm4b:s4+s2], $0x200, $0x38;
	[tilespmem:$0x1080] =	vst v63  }
0x18: {  	_ = 	snop  }
0x19: {  	[tilespmem:s11], [sflag:$0x2] =	stream.linear.gather [hbm4b:s5+s2], $0x200, $0x38;
	[tilespmem:$0x1080] =	vst v63  }
0x1a: {  	_ =	swait.ge [sflag:s12], $0x200  }
0x1b: {  	[sflag:s12] =	ssyncset.done $0x0  }
0x1c: {  	[sflag:s12] =	ssyncadd.s32 $0xFFFFFE00  }
0x1d: {  	v5 =	vld [tilespmem:$0x0]  }
0x1e: {  	v6 =	vld [tilespmem:$0x10]  }
0x1f: {  	v7 =	vld [tilespmem:$0x20]  }
0x20: {  	v8 =	vld [tilespmem:$0x30]  }
0x21: {  	v9 =	vld [tilespmem:$0x40]  }
0x22: {  	v10 =	vld [tilespmem:$0x50];
	v5 =	vadd.s32 v3, v5  }
0x23: {  	[tilespmem:$0x0] =	vst v5;
	v5 =	vadd.s32 v3, v6;
	v6 =	vld [tilespmem:$0x60]  }
0x24: {  	[tilespmem:$0x10] =	vst v5;
	v5 =	vadd.s32 v3, v7;
	v7 =	vld [tilespmem:$0x70]  }
0x25: {  	v43 =	vld [tilespmem:$0x80];
	[tilespmem:$0x20] =	vst v5;
	v5 =	vadd.s32 v3, v8  }
0x26: {  	v44 =	vld [tilespmem:$0x90];
	[tilespmem:$0x30] =	vst v5;
	v5 =	vadd.s32 v3, v9  }
0x27: {  	v45 =	vld [tilespmem:$0xA0];
	[tilespmem:$0x40] =	vst v5;
	v5 =	vadd.s32 v3, v10  }
0x28: {  	[tilespmem:$0x50] =	vst v5;
	v5 =	vadd.s32 v3, v6;
	v6 =	vld [tilespmem:$0xB0]  }
0x29: {  	[tilespmem:$0x60] =	vst v5;
	v5 =	vadd.s32 v3, v7;
	v7 =	vld [tilespmem:$0xC0]  }
0x2a: {  	v46 =	vld [tilespmem:$0xD0];
	[tilespmem:$0x70] =	vst v5;
	v5 =	vadd.s32 v3, v43  }
0x2b: {  	v47 =	vld [tilespmem:$0xE0];
	[tilespmem:$0x80] =	vst v5;
	v5 =	vadd.s32 v3, v44  }
0x2c: {  	v48 =	vld [tilespmem:$0xF0];
	[tilespmem:$0x90] =	vst v5;
	v5 =	vadd.s32 v3, v45  }
0x2d: {  	[tilespmem:$0xA0] =	vst v5;
	v5 =	vadd.s32 v3, v6;
	v6 =	vld [tilespmem:$0x100]  }
0x2e: {  	[tilespmem:$0xB0] =	vst v5;
	v5 =	vadd.s32 v3, v7;
	v7 =	vld [tilespmem:$0x110]  }
0x2f: {  	v49 =	vld [tilespmem:$0x120];
	[tilespmem:$0xC0] =	vst v5;
	v5 =	vadd.s32 v3, v46  }
0x30: {  	v50 =	vld [tilespmem:$0x130];
	[tilespmem:$0xD0] =	vst v5;
	v5 =	vadd.s32 v3, v47  }
0x31: {  	v51 =	vld [tilespmem:$0x140];
	[tilespmem:$0xE0] =	vst v5;
	v5 =	vadd.s32 v3, v48  }
0x32: {  	[tilespmem:$0xF0] =	vst v5;
	v5 =	vadd.s32 v3, v6;
	v6 =	vld [tilespmem:$0x150]  }
0x33: {  	[tilespmem:$0x100] =	vst v5;
	v5 =	vadd.s32 v3, v7;
	v7 =	vld [tilespmem:$0x160]  }
0x34: {  	v52 =	vld [tilespmem:$0x170];
	[tilespmem:$0x110] =	vst v5;
	v5 =	vadd.s32 v3, v49  }
0x35: {  	v53 =	vld [tilespmem:$0x180];
	[tilespmem:$0x120] =	vst v5;
	v5 =	vadd.s32 v3, v50  }
0x36: {  	v54 =	vld [tilespmem:$0x190];
	[tilespmem:$0x130] =	vst v5;
	v5 =	vadd.s32 v3, v51  }
0x37: {  	[tilespmem:$0x140] =	vst v5;
	v5 =	vadd.s32 v3, v6;
	v6 =	vld [tilespmem:$0x1A0]  }
0x38: {  	[tilespmem:$0x150] =	vst v5;
	v5 =	vadd.s32 v3, v7;
	v7 =	vld [tilespmem:$0x1B0]  }
0x39: {  	v55 =	vld [tilespmem:$0x1C0];
	[tilespmem:$0x160] =	vst v5;
	v5 =	vadd.s32 v3, v52  }
0x3a: {  	v56 =	vld [tilespmem:$0x1D0];
	[tilespmem:$0x170] =	vst v5;
	v5 =	vadd.s32 v3, v53  }
0x3b: {  	v57 =	vld [tilespmem:$0x1E0];
	[tilespmem:$0x180] =	vst v5;
	v5 =	vadd.s32 v3, v54  }
0x3c: {  	[tilespmem:$0x190] =	vst v5;
	v5 =	vadd.s32 v3, v6;
	v6 =	vld [tilespmem:$0x1F0]  }
0x3d: {  	[tilespmem:$0x1A0] =	vst v5;
	v5 =	vadd.s32 v3, v7  }
0x3e: {  	[tilespmem:$0x1B0] =	vst v5;
	v5 =	vadd.s32 v3, v55  }
0x3f: {  	[tilespmem:$0x1C0] =	vst v5;
	v5 =	vadd.s32 v3, v56  }
0x40: {  	[tilespmem:$0x1D0] =	vst v5;
	v5 =	vadd.s32 v3, v57  }
0x41: {  	[tilespmem:$0x1E0] =	vst v5;
	v5 =	vadd.s32 v3, v6  }
0x42: {  	[tilespmem:$0x1F0] =	vst v5  }
0x43: {  	[tilespmem:s14], [sflag:$0x3] =	stream.indirect.gather [hbm4b:s0+s13], $0x1, s2, s13, $0xb8;
	[tilespmem:$0x1080] =	vst v63  }
0x44: {  	_ = 	snop  }
0x45: {  	[tilespmem:s15], [sflag:$0x3] =	stream.indirect.gather [hbm4b:s0+s13], $0x1, s13, s13, $0xb8;
	[tilespmem:$0x1080] =	vst v63  }
0x46: {  	_ = 	snop  }
0x47: {  	[tilespmem:s17], [sflag:$0x3] =	stream.indirect.gather [hbm4b:s0+s13], $0x1, s16, s13, $0xb8;
	[tilespmem:$0x1080] =	vst v63  }
0x48: {  	_ = 	snop  }
0x49: {  	[tilespmem:s19], [sflag:$0x3] =	stream.indirect.gather [hbm4b:s0+s13], $0x1, s18, s13, $0xb8;
	[tilespmem:$0x1080] =	vst v63  }
0x4a: {  	_ =	swait.ge [sflag:s20], $0x200  }
0x4b: {  	[sflag:s20] =	ssyncset.done $0x0  }
0x4c: {  	[sflag:s20] =	ssyncadd.s32 $0xFFFFFE00  }
0x4d: {  	_ =	swait.ge [sflag:s20], $0x200  }
0x4e: {  	[sflag:s20] =	ssyncset.done $0x0  }
0x4f: {  	[sflag:s20] =	ssyncadd.s32 $0xFFFFFE00  }
0x50: {  	_ =	swait.ge [sflag:s21], $0x80  }
0x51: {  	[sflag:s21] =	ssyncset.done $0x0  }
0x52: {  	[sflag:s21] =	ssyncadd.s32 $0xFFFFFF80  }
0x53: {  	_ =	swait.ge [sflag:s21], $0x80  }
0x54: {  	[sflag:s21] =	ssyncset.done $0x0  }
0x55: {  	[sflag:s21] =	ssyncadd.s32 $0xFFFFFF80  }
0x56: {  	_ =	swait.ge [sflag:s21], $0x80  }
0x57: {  	[sflag:s21] =	ssyncset.done $0x0  }
0x58: {  	[sflag:s21] =	ssyncadd.s32 $0xFFFFFF80  }
0x59: {  	_ =	swait.ge [sflag:s21], $0x80  }
0x5a: {  	[sflag:s21] =	ssyncset.done $0x0  }
0x5b: {  	[sflag:s21] =	ssyncadd.s32 $0xFFFFFF80  }
0x5c: {  	v5 =	vld [tilespmem:$0x200];
	_ =	sdelay $0x4  }
0x5d: {  	v5 =	vsub.f32 $0.0e+00, v5;
	_ =	sdelay $0x1  }
0x5e: {  	v5 =	vmul.f32 $1.442695020e+00, v5;
	_ =	sdelay $0x1  }
0x5f: {  	(erf) = vpow2.f32 v5;
	_ =	sdelay $0x3  }
0x60: {  	v5 =	vld [tilespmem:$0x210];
	_ =	sdelay $0x4  }
0x61: {  	v5 =	vsub.f32 $0.0e+00, v5;
	v6 =	vpop (erf)  }
0x62: {  	v6 =	vadd.f32 $1.000000000e+00, v6  }
0x63: {  	v5 =	vmul.f32 $1.442695020e+00, v5  }
0x64: {  	(erf) = vrcp.f32 v6  }
0x65: {  	(erf) = vpow2.f32 v5;
	_ =	sdelay $0x3  }
0x66: {  	v5 =	vld [tilespmem:$0x220];
	_ =	sdelay $0x3  }
0x67: {  	v58 =	vpop (erf)  }
0x68: {  	v5 =	vsub.f32 $0.0e+00, v5;
	v6 =	vpop (erf)  }
0x69: {  	v6 =	vadd.f32 $1.000000000e+00, v6  }
0x6a: {  	v5 =	vmul.f32 $1.442695020e+00, v5  }
0x6b: {  	(erf) = vrcp.f32 v6  }
0x6c: {  	(erf) = vpow2.f32 v5;
	_ =	sdelay $0x3  }
0x6d: {  	v5 =	vld [tilespmem:$0x230];
	_ =	sdelay $0x3  }
0x6e: {  	v28 =	vpop (erf)  }
0x6f: {  	v5 =	vsub.f32 $0.0e+00, v5;
	v6 =	vpop (erf)  }
0x70: {  	v6 =	vadd.f32 $1.000000000e+00, v6  }
0x71: {  	v5 =	vmul.f32 $1.442695020e+00, v5  }
0x72: {  	(erf) = vrcp.f32 v6  }
0x73: {  	(erf) = vpow2.f32 v5;
	_ =	sdelay $0x3  }
0x74: {  	v5 =	vld [tilespmem:$0x240];
	_ =	sdelay $0x3  }
0x75: {  	v27 =	vpop (erf)  }
0x76: {  	v5 =	vsub.f32 $0.0e+00, v5;
	v6 =	vpop (erf)  }
0x77: {  	v6 =	vadd.f32 $1.000000000e+00, v6  }
0x78: {  	v5 =	vmul.f32 $1.442695020e+00, v5  }
0x79: {  	(erf) = vrcp.f32 v6  }
0x7a: {  	(erf) = vpow2.f32 v5;
	_ =	sdelay $0x3  }
0x7b: {  	v5 =	vld [tilespmem:$0x250];
	_ =	sdelay $0x3  }
0x7c: {  	v26 =	vpop (erf)  }
0x7d: {  	v5 =	vsub.f32 $0.0e+00, v5;
	v6 =	vpop (erf)  }
0x7e: {  	v6 =	vadd.f32 $1.000000000e+00, v6  }
0x7f: {  	v5 =	vmul.f32 $1.442695020e+00, v5  }
0x80: {  	(erf) = vrcp.f32 v6  }
0x81: {  	(erf) = vpow2.f32 v5;
	_ =	sdelay $0x3  }
0x82: {  	v5 =	vld [tilespmem:$0x260];
	_ =	sdelay $0x3  }
0x83: {  	v21 =	vpop (erf)  }
0x84: {  	v5 =	vsub.f32 $0.0e+00, v5;
	v6 =	vpop (erf)  }
0x85: {  	v6 =	vadd.f32 $1.000000000e+00, v6  }
0x86: {  	v5 =	vmul.f32 $1.442695020e+00, v5  }
0x87: {  	(erf) = vrcp.f32 v6  }
0x88: {  	(erf) = vpow2.f32 v5;
	_ =	sdelay $0x3  }
0x89: {  	v5 =	vld [tilespmem:$0x270];
	_ =	sdelay $0x3  }
0x8a: {  	v25 =	vpop (erf)  }
0x8b: {  	v5 =	vsub.f32 $0.0e+00, v5;
	v6 =	vpop (erf)  }
0x8c: {  	v6 =	vadd.f32 $1.000000000e+00, v6  }
0x8d: {  	v5 =	vmul.f32 $1.442695020e+00, v5  }
0x8e: {  	(erf) = vrcp.f32 v6  }
0x8f: {  	(erf) = vpow2.f32 v5;
	_ =	sdelay $0x3  }
0x90: {  	v5 =	vld [tilespmem:$0x280];
	_ =	sdelay $0x3  }
0x91: {  	v24 =	vpop (erf)  }
0x92: {  	v5 =	vsub.f32 $0.0e+00, v5;
	v6 =	vpop (erf)  }
0x93: {  	v6 =	vadd.f32 $1.000000000e+00, v6  }
0x94: {  	v5 =	vmul.f32 $1.442695020e+00, v5  }
0x95: {  	(erf) = vrcp.f32 v6  }
0x96: {  	(erf) = vpow2.f32 v5;
	_ =	sdelay $0x3  }
0x97: {  	v5 =	vld [tilespmem:$0x290];
	_ =	sdelay $0x3  }
0x98: {  	v23 =	vpop (erf)  }
0x99: {  	v5 =	vsub.f32 $0.0e+00, v5;
	v6 =	vpop (erf)  }
0x9a: {  	v6 =	vadd.f32 $1.000000000e+00, v6  }
0x9b: {  	v5 =	vmul.f32 $1.442695020e+00, v5  }
0x9c: {  	(erf) = vrcp.f32 v6  }
0x9d: {  	(erf) = vpow2.f32 v5;
	_ =	sdelay $0x3  }
0x9e: {  	v5 =	vld [tilespmem:$0x2A0];
	_ =	sdelay $0x3  }
0x9f: {  	v20 =	vpop (erf)  }
0xa0: {  	v5 =	vsub.f32 $0.0e+00, v5;
	v6 =	vpop (erf)  }
0xa1: {  	v6 =	vadd.f32 $1.000000000e+00, v6  }
0xa2: {  	v5 =	vmul.f32 $1.442695020e+00, v5  }
0xa3: {  	(erf) = vrcp.f32 v6  }
0xa4: {  	(erf) = vpow2.f32 v5;
	_ =	sdelay $0x3  }
0xa5: {  	v5 =	vld [tilespmem:$0x2B0];
	_ =	sdelay $0x3  }
0xa6: {  	v22 =	vpop (erf)  }
0xa7: {  	v5 =	vsub.f32 $0.0e+00, v5;
	v6 =	vpop (erf)  }
0xa8: {  	v6 =	vadd.f32 $1.000000000e+00, v6  }
0xa9: {  	v5 =	vmul.f32 $1.442695020e+00, v5  }
0xaa: {  	(erf) = vrcp.f32 v6  }
0xab: {  	(erf) = vpow2.f32 v5;
	_ =	sdelay $0x3  }
0xac: {  	v5 =	vld [tilespmem:$0x2C0];
	_ =	sdelay $0x3  }
0xad: {  	v19 =	vpop (erf)  }
0xae: {  	v5 =	vsub.f32 $0.0e+00, v5;
	v6 =	vpop (erf)  }
0xaf: {  	v6 =	vadd.f32 $1.000000000e+00, v6  }
0xb0: {  	v5 =	vmul.f32 $1.442695020e+00, v5  }
0xb1: {  	(erf) = vrcp.f32 v6  }
0xb2: {  	(erf) = vpow2.f32 v5;
	_ =	sdelay $0x3  }
0xb3: {  	v5 =	vld [tilespmem:$0x2D0];
	_ =	sdelay $0x3  }
0xb4: {  	v18 =	vpop (erf)  }
0xb5: {  	v5 =	vsub.f32 $0.0e+00, v5;
	v6 =	vpop (erf)  }
0xb6: {  	v6 =	vadd.f32 $1.000000000e+00, v6  }
0xb7: {  	v5 =	vmul.f32 $1.442695020e+00, v5  }
0xb8: {  	(erf) = vrcp.f32 v6  }
0xb9: {  	(erf) = vpow2.f32 v5;
	_ =	sdelay $0x3  }
0xba: {  	v5 =	vld [tilespmem:$0x2E0];
	_ =	sdelay $0x3  }
0xbb: {  	v16 =	vpop (erf)  }
0xbc: {  	v5 =	vsub.f32 $0.0e+00, v5;
	v6 =	vpop (erf)  }
0xbd: {  	v6 =	vadd.f32 $1.000000000e+00, v6  }
0xbe: {  	v5 =	vmul.f32 $1.442695020e+00, v5  }
0xbf: {  	(erf) = vrcp.f32 v6  }
0xc0: {  	(erf) = vpow2.f32 v5;
	_ =	sdelay $0x3  }
0xc1: {  	v5 =	vld [tilespmem:$0x2F0];
	_ =	sdelay $0x3  }
0xc2: {  	v17 =	vpop (erf)  }
0xc3: {  	v5 =	vsub.f32 $0.0e+00, v5;
	v6 =	vpop (erf)  }
0xc4: {  	v6 =	vadd.f32 $1.000000000e+00, v6  }
0xc5: {  	v5 =	vmul.f32 $1.442695020e+00, v5  }
0xc6: {  	(erf) = vrcp.f32 v6  }
0xc7: {  	(erf) = vpow2.f32 v5;
	_ =	sdelay $0x3  }
0xc8: {  	v5 =	vld [tilespmem:$0x300];
	_ =	sdelay $0x3  }
0xc9: {  	v15 =	vpop (erf)  }
0xca: {  	v5 =	vsub.f32 $0.0e+00, v5;
	v6 =	vpop (erf)  }
0xcb: {  	v6 =	vadd.f32 $1.000000000e+00, v6  }
0xcc: {  	v5 =	vmul.f32 $1.442695020e+00, v5  }
0xcd: {  	(erf) = vrcp.f32 v6  }
0xce: {  	(erf) = vpow2.f32 v5;
	_ =	sdelay $0x3  }
0xcf: {  	v5 =	vld [tilespmem:$0x310];
	_ =	sdelay $0x3  }
0xd0: {  	v14 =	vpop (erf)  }
0xd1: {  	v5 =	vsub.f32 $0.0e+00, v5;
	v6 =	vpop (erf)  }
0xd2: {  	v6 =	vadd.f32 $1.000000000e+00, v6  }
0xd3: {  	v5 =	vmul.f32 $1.442695020e+00, v5  }
0xd4: {  	(erf) = vrcp.f32 v6  }
0xd5: {  	(erf) = vpow2.f32 v5;
	_ =	sdelay $0x3  }
0xd6: {  	v5 =	vld [tilespmem:$0x320];
	_ =	sdelay $0x3  }
0xd7: {  	v12 =	vpop (erf)  }
0xd8: {  	v5 =	vsub.f32 $0.0e+00, v5;
	v6 =	vpop (erf)  }
0xd9: {  	v6 =	vadd.f32 $1.000000000e+00, v6  }
0xda: {  	v5 =	vmul.f32 $1.442695020e+00, v5  }
0xdb: {  	(erf) = vrcp.f32 v6  }
0xdc: {  	(erf) = vpow2.f32 v5;
	_ =	sdelay $0x3  }
0xdd: {  	v5 =	vld [tilespmem:$0x330];
	_ =	sdelay $0x3  }
0xde: {  	v13 =	vpop (erf)  }
0xdf: {  	v5 =	vsub.f32 $0.0e+00, v5;
	v6 =	vpop (erf)  }
0xe0: {  	v6 =	vadd.f32 $1.000000000e+00, v6  }
0xe1: {  	v5 =	vmul.f32 $1.442695020e+00, v5  }
0xe2: {  	(erf) = vrcp.f32 v6  }
0xe3: {  	(erf) = vpow2.f32 v5;
	_ =	sdelay $0x3  }
0xe4: {  	v5 =	vld [tilespmem:$0x340];
	_ =	sdelay $0x3  }
0xe5: {  	v11 =	vpop (erf)  }
0xe6: {  	v5 =	vsub.f32 $0.0e+00, v5;
	v6 =	vpop (erf)  }
0xe7: {  	v6 =	vadd.f32 $1.000000000e+00, v6  }
0xe8: {  	v5 =	vmul.f32 $1.442695020e+00, v5  }
0xe9: {  	(erf) = vrcp.f32 v6  }
0xea: {  	(erf) = vpow2.f32 v5;
	_ =	sdelay $0x3  }
0xeb: {  	v5 =	vld [tilespmem:$0x350];
	_ =	sdelay $0x3  }
0xec: {  	v10 =	vpop (erf)  }
0xed: {  	v5 =	vsub.f32 $0.0e+00, v5;
	v6 =	vpop (erf)  }
0xee: {  	v6 =	vadd.f32 $1.000000000e+00, v6  }
0xef: {  	v5 =	vmul.f32 $1.442695020e+00, v5  }
0xf0: {  	(erf) = vrcp.f32 v6  }
0xf1: {  	(erf) = vpow2.f32 v5;
	_ =	sdelay $0x3  }
0xf2: {  	v5 =	vld [tilespmem:$0x360];
	_ =	sdelay $0x3  }
0xf3: {  	v7 =	vpop (erf)  }
0xf4: {  	v5 =	vsub.f32 $0.0e+00, v5;
	v6 =	vpop (erf)  }
0xf5: {  	v6 =	vadd.f32 $1.000000000e+00, v6  }
0xf6: {  	v5 =	vmul.f32 $1.442695020e+00, v5  }
0xf7: {  	(erf) = vrcp.f32 v6  }
0xf8: {  	(erf) = vpow2.f32 v5;
	_ =	sdelay $0x3  }
0xf9: {  	v5 =	vld [tilespmem:$0x370];
	_ =	sdelay $0x3  }
0xfa: {  	v8 =	vpop (erf)  }
0xfb: {  	v5 =	vsub.f32 $0.0e+00, v5;
	v6 =	vpop (erf)  }
0xfc: {  	v6 =	vadd.f32 $1.000000000e+00, v6  }
0xfd: {  	v5 =	vmul.f32 $1.442695020e+00, v5  }
0xfe: {  	(erf) = vrcp.f32 v6  }
0xff: {  	(erf) = vpow2.f32 v5;
	_ =	sdelay $0x3  }
0x100: {  	v5 =	vld [tilespmem:$0x380];
	_ =	sdelay $0x3  }
0x101: {  	v6 =	vpop (erf)  }
0x102: {  	v5 =	vsub.f32 $0.0e+00, v5;
	v29 =	vpop (erf)  }
0x103: {  	v29 =	vadd.f32 $1.000000000e+00, v29  }
0x104: {  	v5 =	vmul.f32 $1.442695020e+00, v5  }
0x105: {  	(erf) = vrcp.f32 v29  }
0x106: {  	(erf) = vpow2.f32 v5;
	_ =	sdelay $0x3  }
0x107: {  	v59 =	vld [tilespmem:$0x390];
	_ =	sdelay $0x3  }
0x108: {  	v5 =	vpop (erf)  }
0x109: {  	v29 =	vsub.f32 $0.0e+00, v59;
	v30 =	vpop (erf)  }
0x10a: {  	v30 =	vadd.f32 $1.000000000e+00, v30  }
0x10b: {  	v29 =	vmul.f32 $1.442695020e+00, v29  }
0x10c: {  	(erf) = vrcp.f32 v30  }
0x10d: {  	(erf) = vpow2.f32 v29;
	_ =	sdelay $0x2  }
0x10e: {  	v61 =	vld [tilespmem:$0x600]  }
0x10f: {  	v33 =	vld [tilespmem:$0x3A0];
	v9 =	vmax.f32 v58, $9.999999740e-05  }
0x110: {  	v9 =	vmin.f32 v9, $9.998999830e-01;
	_ =	sdelay $0x2  }
0x111: {  	v29 =	vsub.f32 v9, v61;
	v9 =	vpop (erf)  }
0x112: {  	v60 =	vld [tilespmem:$0x400];
	v33 =	vsub.f32 $0.0e+00, v33;
	v36 =	vpop (erf)  }
0x113: {  	v31 =	vld [tilespmem:$0x410];
	v36 =	vadd.f32 $1.000000000e+00, v36  }
0x114: {  	v32 =	vld [tilespmem:$0x610];
	v37 =	vmul.f32 $1.442695020e+00, v33  }
0x115: {  	v34 =	vld [tilespmem:$0x420];
	(erf) = vrcp.f32 v36  }
0x116: {  	v62 =	vld [tilespmem:$0x430];
	(erf) = vpow2.f32 v37  }
0x117: {  	v63 =	vld [tilespmem:$0x630]  }
0x118: {  	v39 =	vld [tilespmem:$0x440];
	v28 =	vmax.f32 v28, $9.999999740e-05  }
0x119: {  	v40 =	vld [tilespmem:$0x640];
	v28 =	vmin.f32 v28, $9.998999830e-01  }
0x11a: {  	v43 =	vld [tilespmem:$0x3B0];
	v31 =	vcvt.s32.f32 v31;
	v28 =	vsub.f32 v28, v32;
	v21 =	vmax.f32 v21, $9.999999740e-05  }
0x11b: {  	v35 =	vld [tilespmem:$0x620];
	v38 =	vcvt.s32.f32 v34;
	v26 =	vmax.f32 v26, $9.999999740e-05;
	v21 =	vmin.f32 v21, $9.998999830e-01  }
0x11c: {  	v32 =	vcvt.s32.f32 v62;
	v28 =	vmul.f32 v31, v28;
	v26 =	vmin.f32 v26, $9.998999830e-01  }
0x11d: {  	v31 =	vcvt.s32.f32 v39;
	v27 =	vmax.f32 v27, $9.999999740e-05;
	v26 =	vsub.f32 v26, v63  }
0x11e: {  	v28 =	vmul.f32 v28, v28;
	v27 =	vmin.f32 v27, $9.998999830e-01;
	v33 =	vsub.f32 v21, v40;
	v21 =	vpop (erf)  }
0x11f: {  	v44 =	vld [tilespmem:$0x460];
	v26 =	vmul.f32 v32, v26;
	v32 =	vsub.f32 $0.0e+00, v43;
	v30 =	vcvt.s32.f32 v60;
	v49 =	vpop (erf)  }
0x120: {  	v27 =	vsub.f32 v27, v35;
	v47 =	vmul.f32 v31, v33;
	v33 =	vadd.f32 $1.000000000e+00, v49  }
0x121: {  	v48 =	vld [tilespmem:$0x470];
	v32 =	vmul.f32 $1.442695020e+00, v32;
	v29 =	vmul.f32 v30, v29  }
0x122: {  	v41 =	vld [tilespmem:$0x450];
	v27 =	vmul.f32 v38, v27;
	(erf) = vrcp.f32 v33  }
0x123: {  	v42 =	vld [tilespmem:$0x650];
	v29 =	vmul.f32 v29, v29;
	(erf) = vpow2.f32 v32  }
0x124: {  	v46 =	vld [tilespmem:$0x660];
	v51 =	vcvt.s32.f32 v44  }
0x125: {  	v52 =	vld [tilespmem:$0x480];
	v27 =	vmul.f32 v27, v27;
	v25 =	vmax.f32 v25, $9.999999740e-05;
	v28 =	vadd.f32 v28, v29  }
0x126: {  	v54 =	vld [tilespmem:$0x680];
	v55 =	vcvt.s32.f32 v48;
	v26 =	vmul.f32 v26, v26;
	v45 =	vmin.f32 v25, $9.998999830e-01  }
0x127: {  	v58 =	vld [tilespmem:$0x3C0];
	v24 =	vmax.f32 v24, $9.999999740e-05;
	v20 =	vmax.f32 v20, $9.999999740e-05;
	v27 =	vadd.f32 v27, v28  }
0x128: {  	v50 =	vld [tilespmem:$0x670];
	v20 =	vmin.f32 v20, $9.998999830e-01;
	v30 =	vcvt.s32.f32 v41;
	v29 =	vsub.f32 v45, v42  }
0x129: {  	v24 =	vmin.f32 v24, $9.998999830e-01;
	v26 =	vadd.f32 v26, v27;
	v27 =	vmul.f32 v47, v47  }
0x12a: {  	v24 =	vsub.f32 v24, v46;
	v23 =	vmax.f32 v23, $9.999999740e-05;
	v29 =	vmul.f32 v30, v29  }
0x12b: {  	v25 =	vsub.f32 v20, v54;
	v26 =	vadd.f32 v27, v26;
	v27 =	vcvt.s32.f32 v52;
	v20 =	vpop (erf)  }
0x12c: {  	v23 =	vmin.f32 v23, $9.998999830e-01;
	v53 =	vmul.f32 v29, v29;
	v29 =	vsub.f32 $0.0e+00, v58;
	v33 =	vpop (erf)  }
0x12d: {  	v56 =	vld [tilespmem:$0x490];
	v23 =	vsub.f32 v23, v50;
	v62 =	vmul.f32 v27, v25;
	v27 =	vadd.f32 $1.000000000e+00, v33  }
0x12e: {  	v34 =	vld [tilespmem:$0x6B0];
	v24 =	vmul.f32 v51, v24;
	v29 =	vmul.f32 $1.442695020e+00, v29  }
0x12f: {  	v57 =	vld [tilespmem:$0x690];
	v23 =	vmul.f32 v55, v23;
	(erf) = vrcp.f32 v27  }
0x130: {  	v38 =	vld [tilespmem:$0x6C0];
	(erf) = vpow2.f32 v29  }
0x131: {  	v24 =	vmul.f32 v24, v24;
	v23 =	vmul.f32 v23, v23;
	v18 =	vmax.f32 v18, $9.999999740e-05;
	v59 =	vld [tilespmem:$0x4A0]  }
0x132: {  	v63 =	vld [tilespmem:$0x4B0];
	v19 =	vmax.f32 v19, $9.999999740e-05;
	v18 =	vmin.f32 v18, $9.998999830e-01;
	v26 =	vadd.f32 v53, v26  }
0x133: {  	v22 =	vmax.f32 v22, $9.999999740e-05;
	v19 =	vmin.f32 v19, $9.998999830e-01;
	v18 =	vsub.f32 v18, v34;
	v36 =	vld [tilespmem:$0x4C0]  }
0x134: {  	v16 =	vmax.f32 v16, $9.999999740e-05;
	v17 =	vmax.f32 v17, $9.999999740e-05;
	v41 =	vld [tilespmem:$0x3D0];
	v24 =	vadd.f32 v24, v26  }
0x135: {  	v16 =	vmin.f32 v16, $9.998999830e-01;
	v43 =	vmin.f32 v17, $9.998999830e-01;
	v15 =	vmax.f32 v15, $9.999999740e-05;
	v61 =	vld [tilespmem:$0x6A0]  }
0x136: {  	v35 =	vcvt.s32.f32 v59;
	v23 =	vadd.f32 v23, v24;
	v24 =	vmul.f32 v62, v62  }
0x137: {  	v60 =	vmin.f32 v22, $9.998999830e-01;
	v22 =	vsub.f32 v16, v38;
	v25 =	vcvt.s32.f32 v63  }
0x138: {  	v44 =	vld [tilespmem:$0x6E0];
	v30 =	vcvt.s32.f32 v56;
	v23 =	vadd.f32 v24, v23;
	v24 =	vcvt.s32.f32 v36;
	v16 =	vpop (erf)  }
0x139: {  	v48 =	vld [tilespmem:$0x6F0];
	v28 =	vsub.f32 v60, v57;
	v18 =	vmul.f32 v25, v18;
	v25 =	vsub.f32 $0.0e+00, v41;
	v47 =	vpop (erf)  }
0x13a: {  	v39 =	vld [tilespmem:$0x4D0];
	v19 =	vsub.f32 v19, v61;
	v45 =	vmul.f32 v24, v22;
	v24 =	vadd.f32 $1.000000000e+00, v47  }
0x13b: {  	v40 =	vld [tilespmem:$0x6D0];
	v15 =	vmin.f32 v15, $9.998999830e-01;
	v28 =	vmul.f32 v30, v28;
	v25 =	vmul.f32 $1.442695020e+00, v25  }
0x13c: {  	v46 =	vld [tilespmem:$0x4F0];
	v14 =	vmax.f32 v14, $9.999999740e-05;
	v19 =	vmul.f32 v35, v19;
	(erf) = vrcp.f32 v24  }
0x13d: {  	v54 =	vld [tilespmem:$0x710];
	v14 =	vmin.f32 v14, $9.998999830e-01;
	v37 =	vmul.f32 v28, v28;
	(erf) = vpow2.f32 v25  }
0x13e: {  	v50 =	vld [tilespmem:$0x500];
	v15 =	vsub.f32 v15, v44;
	v14 =	vsub.f32 v14, v48;
	v12 =	vmax.f32 v12, $9.999999740e-05  }
0x13f: {  	v13 =	vmax.f32 v13, $9.999999740e-05;
	v19 =	vmul.f32 v19, v19;
	v52 =	vld [tilespmem:$0x700];
	v23 =	vadd.f32 v37, v23  }
0x140: {  	v12 =	vmin.f32 v12, $9.998999830e-01;
	v13 =	vmin.f32 v13, $9.998999830e-01;
	v11 =	vmax.f32 v11, $9.999999740e-05;
	v42 =	vld [tilespmem:$0x4E0]  }
0x141: {  	v55 =	vld [tilespmem:$0x3E0];
	v10 =	vmax.f32 v10, $9.999999740e-05;
	v18 =	vmul.f32 v18, v18;
	v19 =	vadd.f32 v19, v23  }
0x142: {  	v13 =	vsub.f32 v13, v54;
	v11 =	vmin.f32 v11, $9.998999830e-01;
	v10 =	vmin.f32 v10, $9.998999830e-01  }
0x143: {  	v26 =	vsub.f32 v43, v40;
	v18 =	vadd.f32 v18, v19;
	v19 =	vmul.f32 v45, v45  }
0x144: {  	v59 =	vld [tilespmem:$0x530];
	v12 =	vsub.f32 v12, v52;
	v22 =	vcvt.s32.f32 v46;
	v27 =	vcvt.s32.f32 v39  }
0x145: {  	v61 =	vld [tilespmem:$0x730];
	v49 =	vcvt.s32.f32 v42;
	v18 =	vadd.f32 v19, v18;
	v19 =	vcvt.s32.f32 v50;
	v58 =	vpop (erf)  }
0x146: {  	v56 =	vld [tilespmem:$0x520];
	v14 =	vmul.f32 v22, v14;
	v22 =	vsub.f32 $0.0e+00, v55;
	v26 =	vmul.f32 v27, v26;
	v60 =	vpop (erf)  }
0x147: {  	v53 =	vld [tilespmem:$0x510];
	v15 =	vmul.f32 v49, v15;
	v12 =	vmul.f32 v19, v12;
	v19 =	vadd.f32 $1.000000000e+00, v60  }
0x148: {  	v7 =	vmax.f32 v7, $9.999999740e-05;
	v57 =	vld [tilespmem:$0x720];
	v22 =	vmul.f32 $1.442695020e+00, v22;
	v51 =	vmul.f32 v26, v26  }
0x149: {  	v8 =	vmax.f32 v8, $9.999999740e-05;
	v6 =	vmax.f32 v6, $9.999999740e-05;
	v63 =	vld [tilespmem:$0x540];
	(erf) = vrcp.f32 v19  }
0x14a: {  	v15 =	vmul.f32 v15, v15;
	v29 =	vld [tilespmem:$0x560];
	v18 =	vadd.f32 v51, v18;
	(erf) = vpow2.f32 v22  }
0x14b: {  	v7 =	vmin.f32 v7, $9.998999830e-01;
	v8 =	vmin.f32 v8, $9.998999830e-01;
	v6 =	vmin.f32 v6, $9.998999830e-01;
	v27 =	vld [tilespmem:$0x3F0]  }
0x14c: {  	v14 =	vmul.f32 v14, v14;
	v26 =	vld [tilespmem:$0x750];
	v15 =	vadd.f32 v15, v18;
	v24 =	vcvt.s32.f32 v53  }
0x14d: {  	v5 =	vmax.f32 v5, $9.999999740e-05;
	v11 =	vsub.f32 v11, v57;
	v62 =	vcvt.s32.f32 v56;
	v22 =	vld [tilespmem:$0x740]  }
0x14e: {  	v12 =	vmul.f32 v12, v12;
	v14 =	vadd.f32 v14, v15;
	v25 =	vld [tilespmem:$0x550];
	v13 =	vmul.f32 v24, v13  }
0x14f: {  	v10 =	vsub.f32 v10, v61;
	v11 =	vmul.f32 v62, v11;
	v15 =	vcvt.s32.f32 v59  }
0x150: {  	v30 =	vld [tilespmem:$0x760];
	v28 =	vcvt.s32.f32 v63;
	v12 =	vadd.f32 v12, v14;
	v13 =	vmul.f32 v13, v13  }
0x151: {  	v11 =	vmul.f32 v11, v11;
	v8 =	vsub.f32 v8, v26;
	v10 =	vmul.f32 v15, v10  }
0x152: {  	v14 =	vcvt.s32.f32 v29;
	v12 =	vadd.f32 v13, v12;
	v7 =	vsub.f32 v7, v22;
	v31 =	vpop (erf)  }
0x153: {  	v35 =	vld [tilespmem:$0x770];
	v15 =	vsub.f32 $0.0e+00, v27;
	v10 =	vmul.f32 v10, v10;
	v32 =	vcvt.s32.f32 v25;
	v34 =	vpop (erf)  }
0x154: {  	v33 =	vld [tilespmem:$0x570];
	v11 =	vadd.f32 v11, v12;
	v7 =	vmul.f32 v28, v7;
	v18 =	vadd.f32 $1.000000000e+00, v34  }
0x155: {  	v6 =	vsub.f32 v6, v30;
	v36 =	vld [tilespmem:$0x580];
	v15 =	vmul.f32 $1.442695020e+00, v15;
	v8 =	vmul.f32 v32, v8  }
0x156: {  	v37 =	vld [tilespmem:$0x780];
	v10 =	vadd.f32 v10, v11;
	v7 =	vmul.f32 v7, v7;
	(erf) = vrcp.f32 v18  }
0x157: {  	v5 =	vmin.f32 v5, $9.998999830e-01;
	(erf) = vpow2.f32 v15  }
0x158: {  	v38 =	vld [tilespmem:$0x590];
	v6 =	vmul.f32 v14, v6;
	v8 =	vmul.f32 v8, v8;
	v7 =	vadd.f32 v7, v10  }
0x159: {  	v9 =	vmax.f32 v9, $9.999999740e-05;
	v5 =	vsub.f32 v5, v35;
	v39 =	vld [tilespmem:$0x790];
	v13 =	vcvt.s32.f32 v33  }
0x15a: {  	v40 =	vmin.f32 v9, $9.998999830e-01;
	v41 =	vld [tilespmem:$0x5A0];
	v6 =	vmul.f32 v6, v6;
	v7 =	vadd.f32 v8, v7  }
0x15b: {  	v42 =	vld [tilespmem:$0x7A0];
	v5 =	vmul.f32 v13, v5;
	v12 =	vcvt.s32.f32 v36;
	v8 =	vsub.f32 v40, v37  }
0x15c: {  	v6 =	vadd.f32 v6, v7;
	v7 =	vmax.f32 v21, $9.999999740e-05  }
0x15d: {  	v43 =	vld [tilespmem:$0x5B0];
	v5 =	vmul.f32 v5, v5;
	v8 =	vmul.f32 v12, v8;
	v7 =	vmin.f32 v7, $9.998999830e-01  }
0x15e: {  	v45 =	vld [tilespmem:$0x7B0];
	v44 =	vmax.f32 v20, $9.999999740e-05;
	v10 =	vcvt.s32.f32 v38;
	v7 =	vsub.f32 v7, v39  }
0x15f: {  	v47 =	vmin.f32 v44, $9.998999830e-01;
	v5 =	vadd.f32 v5, v6;
	v6 =	vmul.f32 v8, v8;
	v46 =	vpop (erf)  }
0x160: {  	v9 =	vcvt.s32.f32 v41;
	v8 =	vsub.f32 v47, v42;
	v7 =	vmul.f32 v10, v7;
	v48 =	vpop (erf)  }
0x161: {  	v5 =	vadd.f32 v6, v5;
	v6 =	vmax.f32 v16, $9.999999740e-05;
	v10 =	vadd.f32 $1.000000000e+00, v48  }
0x162: {  	v49 =	vld [tilespmem:$0x5C0];
	v12 =	vcvt.s32.f32 v43;
	v8 =	vmul.f32 v9, v8;
	v6 =	vmin.f32 v6, $9.998999830e-01  }
0x163: {  	v50 =	vld [tilespmem:$0x7C0];
	v7 =	vmul.f32 v7, v7;
	v6 =	vsub.f32 v6, v45;
	(erf) = vrcp.f32 v10;
	_ =	sdelay $0x1  }
0x164: {  	v52 =	vld [tilespmem:$0x7D0];
	v5 =	vadd.f32 v7, v5;
	v7 =	vmul.f32 v8, v8;
	v6 =	vmul.f32 v12, v6  }
0x165: {  	v51 =	vld [tilespmem:$0x5D0];
	v53 =	vmax.f32 v58, $9.999999740e-05  }
0x166: {  	v54 =	vld [tilespmem:$0x5E0];
	v5 =	vadd.f32 v7, v5;
	v6 =	vmul.f32 v6, v6;
	v7 =	vmin.f32 v53, $9.998999830e-01  }
0x167: {  	v55 =	vld [tilespmem:$0x7E0];
	v9 =	vcvt.s32.f32 v49;
	v7 =	vsub.f32 v7, v50  }
0x168: {  	v56 =	vld [tilespmem:$0x5F0];
	v5 =	vadd.f32 v6, v5;
	v6 =	vmax.f32 v31, $9.999999740e-05  }
0x169: {  	v58 =	vld [tilespmem:$0x7F0];
	v7 =	vmul.f32 v9, v7;
	v6 =	vmin.f32 v6, $9.998999830e-01  }
0x16a: {  	v59 =	vcvt.s32.f32 v51;
	v57 =	vmax.f32 v46, $9.999999740e-05;
	v6 =	vsub.f32 v6, v52  }
0x16b: {  	v60 =	vcvt.s32.f32 v54;
	v9 =	vmin.f32 v57, $9.998999830e-01;
	v7 =	vmul.f32 v7, v7;
	v61 =	vpop (erf)  }
0x16c: {  	v9 =	vsub.f32 v9, v55;
	v6 =	vmul.f32 v59, v6;
	v62 =	vmax.f32 v61, $9.999999740e-05  }
0x16d: {  	v63 =	vcvt.s32.f32 v56;
	v5 =	vadd.f32 v7, v5;
	v8 =	vmin.f32 v62, $9.998999830e-01  }
0x16e: {  	v7 =	vmul.f32 v60, v9;
	v6 =	vmul.f32 v6, v6;
	v8 =	vsub.f32 v8, v58;
	_ =	sdelay $0x1  }
0x16f: {  	v5 =	vadd.f32 v6, v5;
	v6 =	vmul.f32 v7, v7;
	v7 =	vmul.f32 v63, v8;
	_ =	sdelay $0x1  }
0x170: {  	v5 =	vadd.f32 v6, v5;
	v6 =	vmul.f32 v7, v7;
	_ =	sdelay $0x1  }
0x171: {  	v5 =	vadd.f32 v6, v5;
	_ =	sdelay $0x1  }
0x172: {  	[tilespmem:$0x800] =	vst v5  }
0x173: {  	[hbm4b:s6+s2] =	stream.linear.scatter [tilespmem:s22], [sflag:$0x4], $0x80, $0x38;
	[tilespmem:$0x1080] =	vst v63  }
0x174: {  	_ =	swait.ge [sflag:s23], $0x80  }
0x175: {  	[sflag:s23] =	ssyncset.done $0x0  }
0x176: {  	[sflag:s23] =	ssyncadd.s32 $0xFFFFFF80  }
0x177: {  	[bflag:$0x0] =	sbarrier.arrive $0xFFFF  }
0x178: {  	[tilespmem:s24], [sflag:$0x4] =	stream.linear.gather @!p0 [hbm4b:s8+s2], $0x800, $0x38;
	[tilespmem:$0x1080] =	vst v63  }
0x179: {  	_ =	swait.ge @!p0 [sflag:s23], $0x800  }
0x17a: {  	[sflag:s23] =	ssyncset.done @!p0 $0x0  }
0x17b: {  	[sflag:s23] =	ssyncadd.s32 @!p0 $0xFFFFF800  }
0x17c: {  	v5 =	vld @!p0 [tilespmem:$0x880];
	_ =	sdelay $0x1  }
0x17d: {  	v6 =	vld @!p0 [tilespmem:$0x900];
	_ =	sdelay $0x1  }
0x17e: {  	v7 =	vld @!p0 [tilespmem:$0x980]  }
0x17f: {  	v5 =	vadd.f32 @!p0 $0.0e+00, v5  }
0x180: {  	v8 =	vld @!p0 [tilespmem:$0xA00]  }
0x181: {  	v5 =	vadd.f32 @!p0 v6, v5  }
0x182: {  	v6 =	vld @!p0 [tilespmem:$0xA80]  }
0x183: {  	v5 =	vadd.f32 @!p0 v7, v5  }
0x184: {  	v7 =	vld @!p0 [tilespmem:$0xB00]  }
0x185: {  	v5 =	vadd.f32 @!p0 v8, v5  }
0x186: {  	v8 =	vld @!p0 [tilespmem:$0xB80]  }
0x187: {  	v5 =	vadd.f32 @!p0 v6, v5  }
0x188: {  	v6 =	vld @!p0 [tilespmem:$0xC00]  }
0x189: {  	v5 =	vadd.f32 @!p0 v7, v5  }
0x18a: {  	v7 =	vld @!p0 [tilespmem:$0xC80]  }
0x18b: {  	v5 =	vadd.f32 @!p0 v8, v5  }
0x18c: {  	v8 =	vld @!p0 [tilespmem:$0xD00]  }
0x18d: {  	v5 =	vadd.f32 @!p0 v6, v5  }
0x18e: {  	v6 =	vld @!p0 [tilespmem:$0xD80]  }
0x18f: {  	v5 =	vadd.f32 @!p0 v7, v5  }
0x190: {  	v7 =	vld @!p0 [tilespmem:$0xE00]  }
0x191: {  	v5 =	vadd.f32 @!p0 v8, v5  }
0x192: {  	v8 =	vld @!p0 [tilespmem:$0xE80]  }
0x193: {  	v5 =	vadd.f32 @!p0 v6, v5  }
0x194: {  	v6 =	vld @!p0 [tilespmem:$0xF00]  }
0x195: {  	v5 =	vadd.f32 @!p0 v7, v5  }
0x196: {  	v7 =	vld @!p0 [tilespmem:$0xF80]  }
0x197: {  	v5 =	vadd.f32 @!p0 v8, v5  }
0x198: {  	v8 =	vld @!p0 [tilespmem:$0x1000]  }
0x199: {  	v5 =	vadd.f32 @!p0 v6, v5;
	_ =	sdelay $0x1  }
0x19a: {  	v5 =	vadd.f32 @!p0 v7, v5;
	_ =	sdelay $0x1  }
0x19b: {  	v5 =	vadd.f32 @!p0 v8, v5;
	_ =	sdelay $0x1  }
0x19c: {  	v6 =	vperm.xlane @!p0 v5, v0;
	_ =	sdelay $0x1  }
0x19d: {  	v5 =	vadd.f32 @!p0 v6, v5;
	_ =	sdelay $0x1  }
0x19e: {  	v6 =	vperm.xlane @!p0 v5, v1;
	_ =	sdelay $0x1  }
0x19f: {  	v5 =	vadd.f32 @!p0 v6, v5;
	_ =	sdelay $0x1  }
0x1a0: {  	v6 =	vperm.xlane @!p0 v5, v2;
	_ =	sdelay $0x1  }
0x1a1: {  	v5 =	vadd.f32 @!p0 v6, v5;
	_ =	sdelay $0x1  }
0x1a2: {  	v6 =	vperm.xlane @!p0 v5, v4;
	_ =	sdelay $0x1  }
0x1a3: {  	v5 =	vadd.f32 @!p0 v6, v5;
	_ =	sdelay $0x1  }
0x1a4: {  	s9 =	sadd.s32 $0xFFFFFFFF, s9;
	v5 =	vmul.f32 @!p0 $6.250000300e-05, v5  }
0x1a5: {  	p1 =	sne.s32 s9, $0x0  }
.Ltmp0:
0x1a6: {  	[tilespmem:$0x800] =	vst @!p0 v5;
	(pc) =	sbr.rel @p1 .LBB2_1-.Ltmp0, $4  }
0x1a7: {  	[hbm4b:s7+s2] =	stream.linear.scatter @!p0 [tilespmem:s22], [sflag:$0x4], $0x80, $0x38;
	[tilespmem:$0x1080] =	vst v63  }
0x1a8: {  	_ =	swait.ge @!p0 [sflag:s23], $0x80  }
0x1a9: {  	[sflag:s23] =	ssyncset.done @!p0 $0x0  }
0x1aa: {  	[sflag:s23] =	ssyncadd.s32 @!p0 $0xFFFFFF80  }
0x1ab: {  	_ =	sfence.sel $0x180000  }
0x1ac: {  	[bflag:$0x0] =	sbarrier.arrive $0xFFFF  }
0x1ad: {  	_ =	strace $0x90000047  }
0x1ae: {  	s0 =	sadd.s32 @!p0 $0x100000, s1;
	[bflag:$0x2] =	sbarrier.arrive $0xFFFF  }
0x1af: {  	[sflag:s0] =	ssyncadd.tile.s32 @!p0 $0x1;
	_ =	shalt  }
.Lfunc_end2:
_tile_overlayer_lowered:
.L_overlay_start_2:
0x1b0: {  	(tag) =	ssettag $0x2  }
0x1b1: {  	s0 =	rddreg [dreg:$0x0];
	s2 =	stileid.u32  }
0x1b2: {  	s1 =	rddreg [dreg:$0x1];
	p0 =	sne.s32 s2, $0x0  }
0x1b3: {  	s3 =	rddreg [dreg:$0x2];
	[bflag:$0x3] =	sbarrier.arrive $0xFFFF;
	s2 =	simm.s32 @!p0 $0x1C04  }
0x1b4: {  	[timem:s3], [sflag:s2] =	dma.local @!p0 [hbm:s0], s1  }
0x1b5: {  	s0 =	simm.s32 @!p0 $0x4  }
0x1b6: {  	_ =	swait.ge @!p0 [sflag:s0], s1  }
0x1b7: {  	s1 =	ssub.s32 @!p0 $0x0, s1;
	[sflag:s0] =	ssyncset.done @!p0 $0x0  }
0x1b8: {  	[sflag:s0] =	ssyncadd.s32 @!p0 s1  }
0x1b9: {  	[bflag:$0x3] =	sbarrier.arrive $0xFFFF  }
0x1ba: {  	_ =	shalt  }

</sc_bundles>
